<compile_context>
chip_gen: v7x
topology: tpu7x:2x2x1
jax: 0.10.2.dev20260603
libtpu: 0.0.44.dev20260713+nightly
codegen_flags: <defaults>
</compile_context>

<pallas_src>
import functools

import jax
import jax.numpy as jnp
from jax import lax
from jax.experimental import pallas as pl
from jax.experimental.pallas import tpu as pltpu
from jax.experimental.pallas import tpu_sc as plsc

MIN_NORM = 1e-15
EPS = 4e-3
MAX_NORM = 1e6

N_NODES = 10000
N_EDGES = 320000
D_IN = 128
D_HID = 256
D_OUT = 40

ROW_BLK = 1000


def _sinhc(t, t2):
    e = jnp.exp(t)
    return jnp.where(t < 1e-4, 1.0 + t2 / 6.0, (e - 1.0 / e) / (2.0 * t))


def _cosh(t):
    e = jnp.exp(t)
    return 0.5 * (e + 1.0 / e)


def _acosh(t):
    return jnp.log(t + jnp.sqrt((t - 1.0) * (t + 1.0)))



def _encoder_body(x_ref, w_ref, b_ref, out_ref):
    x = x_ref[...]
    q = jnp.sum(x * x, axis=-1, keepdims=True)
    xn = jnp.sqrt(jnp.clip(q, MIN_NORM, None))
    s = _sinhc(xn, xn * xn)
    t1 = jnp.sqrt(jnp.clip(1.0 + s * s * q, EPS, None))
    yn = jnp.sqrt(jnp.clip(s * s * q, MIN_NORM, None))
    theta = jnp.clip(t1, 1.0 + EPS, None)
    g = _acosh(theta) * s / yn
    u = g * x
    M = jnp.dot(u, w_ref[...], preferred_element_type=jnp.float32)

    col = lax.broadcasted_iota(jnp.int32, (1, D_HID), 1)
    is0 = col == 0

    Mv = jnp.where(is0, 0.0, M)
    q2 = jnp.sum(Mv * Mv, axis=-1, keepdims=True)
    xn2 = jnp.sqrt(jnp.clip(q2, MIN_NORM, None))
    s2 = _sinhc(xn2, xn2 * xn2)
    rv = s2 * Mv
    r0 = jnp.sqrt(jnp.clip(1.0 + s2 * s2 * q2, EPS, None))

    b = b_ref[...]
    bv = jnp.where(is0, 0.0, b)
    qb = jnp.sum(bv * bv, axis=-1, keepdims=True)
    bn = jnp.sqrt(jnp.clip(qb, MIN_NORM, None))
    sb = _sinhc(bn, bn * bn)
    ybv = sb * bv
    tb = jnp.sqrt(jnp.clip(1.0 + sb * sb * qb, EPS, None))
    ybn = jnp.sqrt(jnp.clip(sb * sb * qb, MIN_NORM, None))
    thb = jnp.clip(tb, 1.0 + EPS, None)
    ubv = _acosh(thb) * ybv / ybn

    yn_r = jnp.sqrt(jnp.clip(jnp.sum(rv * rv, axis=-1, keepdims=True),
                             MIN_NORM, None))
    yhat = rv / yn_r
    alpha = jnp.sum(yhat * ubv, axis=-1, keepdims=True)
    w0 = alpha * yn_r
    wv = ubv - alpha * (1.0 - r0) * yhat
    ux = jnp.sum(rv * wv, axis=-1, keepdims=True)
    v0 = ux / jnp.clip(r0, EPS, None)
    del w0
    dot = jnp.sum(wv * wv, axis=-1, keepdims=True) + v0 * v0 - 2.0 * v0 * v0
    normu = jnp.sqrt(jnp.clip(dot, EPS, None))
    normu = jnp.clip(normu, None, MAX_NORM)
    th = jnp.clip(normu, MIN_NORM, None)
    ch, shth = _cosh(th), _sinhc(th, th * th)
    z0 = ch * r0 + shth * v0
    zv = ch * rv + shth * wv
    del z0
    qz = jnp.sum(zv * zv, axis=-1, keepdims=True)
    tz = jnp.sqrt(jnp.clip(1.0 + qz, EPS, None))
    zn = jnp.sqrt(jnp.clip(qz, MIN_NORM, None))
    thz = jnp.clip(tz, 1.0 + EPS, None)
    xt = _acosh(thz) * zv / zn
    out_ref[0, :, :] = xt[:, :D_IN]
    out_ref[1, :, :] = xt[:, D_IN:]


def _encoder(x, W1s, b1row):
    return pl.pallas_call(
        _encoder_body,
        grid=(N_NODES // ROW_BLK,),
        in_specs=[
            pl.BlockSpec((ROW_BLK, D_IN), lambda i: (i, 0)),
            pl.BlockSpec((D_IN, D_HID), lambda i: (0, 0)),
            pl.BlockSpec((1, D_HID), lambda i: (0, 0)),
        ],
        out_specs=pl.BlockSpec((2, ROW_BLK, D_IN), lambda i: (0, i, 0)),
        out_shape=jax.ShapeDtypeStruct((2, N_NODES, D_IN), jnp.float32),
    )(x, W1s, b1row)



NUM_CORES = 2
NUM_SUBCORES = 16
CHUNK = 128
EDGES_PER_TILE = N_EDGES // NUM_SUBCORES
N_CHUNKS = EDGES_PER_TILE // CHUNK
TAIL = EDGES_PER_TILE - N_CHUNKS * CHUNK
ACC_ROWS = 10112
ZERO_PER_TILE = ACC_ROWS // NUM_SUBCORES
OUT_PER_TILE = ACC_ROWS // NUM_SUBCORES


def _segsum_sc(xt_flat, dst_ids, src_ids, zeros_hbm):
    mesh = plsc.VectorSubcoreMesh(core_axis_name="c", subcore_axis_name="s")

    @functools.partial(
        pl.kernel,
        mesh=mesh,
        out_type=jax.ShapeDtypeStruct((2, ACC_ROWS, D_IN), jnp.float32),
        scratch_types=[
            [pltpu.VMEM((CHUNK,), jnp.int32) for _ in range(3)],
            [pltpu.VMEM((CHUNK,), jnp.int32) for _ in range(3)],
            [pltpu.VMEM((CHUNK, D_IN), jnp.float32) for _ in range(3)],
            pltpu.VMEM_SHARED((ACC_ROWS, D_IN), jnp.float32),
            [pltpu.SemaphoreType.DMA for _ in range(3)],
        ],
    )
    def k(xt_hbm, dst_hbm, src_hbm, z_hbm, out_hbm, src_v, dst_v, rows, acc,
          gsem):
        c = lax.axis_index("c")
        s = lax.axis_index("s")
        row_off = c * N_NODES
        offv = jnp.full((16,), 1, jnp.int32) * row_off

        pltpu.sync_copy(z_hbm.at[pl.ds(0, ZERO_PER_TILE)],
                        acc.at[pl.ds(s * ZERO_PER_TILE, ZERO_PER_TILE)])
        plsc.subcore_barrier()

        base = s * EDGES_PER_TILE

        def load_ids(off, count, b):
            pltpu.sync_copy(src_hbm.at[pl.ds(off, count)],
                            src_v[b].at[pl.ds(0, count)])
            pltpu.sync_copy(dst_hbm.at[pl.ds(off, count)],
                            dst_v[b].at[pl.ds(0, count)])
            for j in range(count // 16):
                sl = pl.ds(j * 16, 16)
                src_v[b][sl] = src_v[b][sl] + offv

        def gather(count, b):
            return pltpu.async_copy(xt_hbm.at[src_v[b].at[pl.ds(0, count)]],
                                    rows[b].at[pl.ds(0, count)], gsem[b])

        def scatter(count, b):
            pltpu.sync_copy(rows[b].at[pl.ds(0, count)],
                            acc.at[dst_v[b].at[pl.ds(0, count)]], add=True)

        def body(g):
            off = base + 3 * g * CHUNK
            load_ids(off, CHUNK, 0)
            d0 = gather(CHUNK, 0)
            load_ids(off + CHUNK, CHUNK, 1)
            d1 = gather(CHUNK, 1)
            load_ids(off + 2 * CHUNK, CHUNK, 2)
            d2 = gather(CHUNK, 2)
            d0.wait()
            scatter(CHUNK, 0)
            d1.wait()
            scatter(CHUNK, 1)
            d2.wait()
            scatter(CHUNK, 2)

        pl.loop(0, N_CHUNKS // 3)(body)
        if TAIL:
            load_ids(base + N_CHUNKS * CHUNK, TAIL, 0)
            gather(TAIL, 0).wait()
            scatter(TAIL, 0)

        plsc.subcore_barrier()
        pltpu.sync_copy(acc.at[pl.ds(s * OUT_PER_TILE, OUT_PER_TILE)],
                        out_hbm.at[c, pl.ds(s * OUT_PER_TILE, OUT_PER_TILE)])

    return k(xt_flat, dst_ids, src_ids, zeros_hbm)




def _decoder_body(lo_ref, hi_ref, wd_ref, bd_ref, out_ref):
    sv = jnp.concatenate([lo_ref[0], hi_ref[0]], axis=-1)
    q3 = jnp.sum(sv * sv, axis=-1, keepdims=True)
    sn = jnp.sqrt(jnp.clip(q3, MIN_NORM, None))
    s3 = _sinhc(sn, sn * sn)
    y = s3 * sv
    t3 = jnp.sqrt(jnp.clip(1.0 + s3 * s3 * q3, EPS, None))
    yn = jnp.sqrt(jnp.clip(s3 * s3 * q3, MIN_NORM, None))
    th3 = jnp.clip(t3, 1.0 + EPS, None)
    l = _acosh(th3) * y / yn
    lp = jnp.maximum(l, 0.0)
    q4 = jnp.sum(lp * lp, axis=-1, keepdims=True)
    ln = jnp.sqrt(jnp.clip(q4, MIN_NORM, None))
    s4 = _sinhc(ln, ln * ln)
    y4 = s4 * lp
    t4 = jnp.sqrt(jnp.clip(1.0 + s4 * s4 * q4, EPS, None))
    y4n = jnp.sqrt(jnp.clip(s4 * s4 * q4, MIN_NORM, None))
    th4 = jnp.clip(t4, 1.0 + EPS, None)
    hd = _acosh(th4) * y4 / y4n
    out = jnp.dot(hd, wd_ref[...], preferred_element_type=jnp.float32)
    out = out + bd_ref[...]
    col = lax.broadcasted_iota(jnp.int32, (1, 128), 1)
    valid = col < D_OUT
    neg = jnp.float32(-1e30)
    m = jnp.max(jnp.where(valid, out, neg), axis=-1, keepdims=True)
    e = jnp.where(valid, jnp.exp(out - m), 0.0)
    lse = jnp.log(jnp.sum(e, axis=-1, keepdims=True))
    out_ref[...] = out - m - lse


def _decoder(sup2, WdT_pad, bd_pad):
    return pl.pallas_call(
        _decoder_body,
        grid=(N_NODES // ROW_BLK,),
        in_specs=[
            pl.BlockSpec((1, ROW_BLK, D_IN), lambda i: (0, i, 0)),
            pl.BlockSpec((1, ROW_BLK, D_IN), lambda i: (1, i, 0)),
            pl.BlockSpec((D_HID, 128), lambda i: (0, 0)),
            pl.BlockSpec((1, 128), lambda i: (0, 0)),
        ],
        out_specs=pl.BlockSpec((ROW_BLK, 128), lambda i: (i, 0)),
        out_shape=jax.ShapeDtypeStruct((N_NODES, 128), jnp.float32),
    )(sup2, sup2, WdT_pad, bd_pad)


def kernel(x, edge_index, W1, b1, Wd, bd):
    W1s = W1[:, 1:].T
    b1row = b1.reshape(1, D_HID)
    WdT_pad = jnp.zeros((D_HID, 128), jnp.float32).at[:, :D_OUT].set(Wd.T)
    bd_pad = jnp.zeros((1, 128), jnp.float32).at[0, :D_OUT].set(bd)
    zeros_hbm = jnp.zeros((ZERO_PER_TILE, D_IN), jnp.float32)

    xt2 = _encoder(x, W1s, b1row)
    xt_flat = xt2.reshape(2 * N_NODES, D_IN)
    sup2 = _segsum_sc(xt_flat, edge_index[0], edge_index[1], zeros_hbm)
    out = _decoder(sup2, WdT_pad, bd_pad)
    return out[:, :D_OUT]

# --- scband reference (transcript-rebuilt; emitter-appended) ---
"""Pipeline reference for scband-hgcnconv-31628139168155 (READ-ONLY COPY).

The authoritative reference and input builder live on the scoring server;
editing this copy changes nothing except your own understanding.
"""

import jax, jax.numpy as jnp
import numpy as np

MIN_NORM = 1e-15
EPS = 4e-3
MAX_NORM = 1e6
N_NODES = 10000
N_EDGES = 320000
D_IN = 128
D_HID = 256
D_OUT = 40

# Hyperboloid manifold ops with curvature c = 1.0 (the nn.Parameter init value).

def _norm(y):
    # clamp the squared norm (instead of the norm) for NaN-safe gradients at 0
    return jnp.sqrt(jnp.clip(jnp.sum(y * y, axis=-1, keepdims=True), MIN_NORM, None))

def proj(x):
    y = x[:, 1:]
    t = jnp.sqrt(jnp.clip(1.0 + jnp.sum(y * y, axis=-1, keepdims=True), EPS, None))
    return jnp.concatenate([t, y], axis=-1)

def expmap0(u):
    xs = u[:, 1:]
    xn = _norm(xs)
    res = jnp.concatenate([jnp.cosh(xn), jnp.sinh(xn) * xs / xn], axis=-1)
    return proj(res)

def logmap0(x):
    y = x[:, 1:]
    yn = _norm(y)
    theta = jnp.clip(x[:, 0:1], 1.0 + EPS, None)
    return jnp.concatenate([jnp.zeros_like(theta), jnp.arccosh(theta) * y / yn], axis=-1)

def proj_tan0(u):
    return jnp.concatenate([jnp.zeros_like(u[:, 0:1]), u[:, 1:]], axis=-1)

def proj_tan(u, x):
    ux = jnp.sum(x[:, 1:] * u[:, 1:], axis=-1, keepdims=True)
    v0 = ux / jnp.clip(x[:, 0:1], EPS, None)
    return jnp.concatenate([v0, u[:, 1:]], axis=-1)

def minkowski_norm(u):
    dot = jnp.sum(u * u, axis=-1, keepdims=True) - 2.0 * u[:, 0:1] ** 2
    return jnp.sqrt(jnp.clip(dot, EPS, None))

def expmap(u, x):
    normu = jnp.clip(minkowski_norm(u), None, MAX_NORM)
    theta = jnp.clip(normu, MIN_NORM, None)
    return proj(jnp.cosh(theta) * x + jnp.sinh(theta) * u / theta)

def ptransp0(x, u):
    x0 = x[:, 0:1]
    y = x[:, 1:]
    yn = _norm(y)
    yhat = y / yn
    v = jnp.concatenate([-yn, (1.0 - x0) * yhat], axis=-1)
    alpha = jnp.sum(yhat * u[:, 1:], axis=-1, keepdims=True)
    return proj_tan(u - alpha * v, x)

def mobius_add(x, y):
    return expmap(ptransp0(x, logmap0(y)), x)

def hgcn_forward(x, edge_index, W1, b1, Wd, bd):
    n = x.shape[0]
    # Hyperboloid: prepend zero time coordinate -> feat_dim + 1
    x = jnp.concatenate([jnp.zeros((n, 1), x.dtype), x], axis=-1)
    # encoder: map features onto the hyperboloid
    x_hyp = proj(expmap0(proj_tan0(x)))
    # HypLinear (mobius matvec + hyperbolic bias), dropout omitted (eval mode)
    u = logmap0(x_hyp)
    res = proj(expmap0(u @ W1.T))
    hyp_bias = proj(expmap0(proj_tan0(b1.reshape(1, -1))))
    res = proj(mobius_add(res, hyp_bias))
    # HypAgg: torch.spmm(adj, x_tangent) with adj built from ones at edge_index
    x_t = logmap0(res)
    support = jax.ops.segment_sum(x_t[edge_index[1]], edge_index[0], num_segments=n)
    h = proj(expmap0(support))
    # HypAct (relu), c_in = c_out = 1
    h = proj(expmap0(proj_tan0(jax.nn.relu(logmap0(h)))))
    # LinearDecoder on tangent space at origin
    hd = proj_tan0(logmap0(h))
    out = hd @ Wd.T + bd
    return jax.nn.log_softmax(out, axis=-1)

def setup_inputs(seed: int = 0):
    key = jax.random.key(seed)
    k1, k2, k3, k4, k5 = jax.random.split(key, 5)
    x = jax.random.normal(k1, (N_NODES, D_IN), dtype=jnp.float32) * 0.1
    edge_index = jax.random.randint(k2, (2, N_EDGES), 0, N_NODES, dtype=jnp.int32)
    W1 = jax.random.normal(k3, (D_HID, D_IN + 1), dtype=jnp.float32) * 0.01
    b1 = jax.random.normal(k4, (D_HID,), dtype=jnp.float32) * 0.01
    Wd = jax.random.normal(k5, (D_OUT, D_HID), dtype=jnp.float32) * 0.05
    bd = jnp.zeros((D_OUT,), dtype=jnp.float32)
    return {"x": x, "edge_index": edge_index, "W1": W1, "b1": b1, "Wd": Wd, "bd": bd}

def reference(x, edge_index, W1, b1, Wd, bd):
    return hgcn_forward(x, edge_index, W1, b1, Wd, bd)

if __name__ == "__main__":
    import jax
    _d = setup_inputs()
    print(jax.jit(kernel)(*tuple(_d.values())))

</pallas_src>

<mosaic_0001>
#map = affine_map<(d0, d1) -> (0, 0)>
#map1 = affine_map<(d0, d1) -> (0)>
#map2 = affine_map<(d0, d1) -> (0, 0, 0)>
module attributes {stable_mosaic.version = 14 : i64} {
  func.func @k(%arg0: i32, %arg1: i32, %arg2: memref<20000x128xf32, #tpu.memory_space<hbm>>, %arg3: memref<320000xi32, #tpu.memory_space<hbm>>, %arg4: memref<320000xi32, #tpu.memory_space<hbm>>, %arg5: memref<632x128xf32, #tpu.memory_space<hbm>>, %arg6: memref<2x10112x128xf32, #tpu.memory_space<hbm>>, %arg7: memref<128xi32, #tpu.memory_space<vmem>>, %arg8: memref<128xi32, #tpu.memory_space<vmem>>, %arg9: memref<128xi32, #tpu.memory_space<vmem>>, %arg10: memref<128xi32, #tpu.memory_space<vmem>>, %arg11: memref<128xi32, #tpu.memory_space<vmem>>, %arg12: memref<128xi32, #tpu.memory_space<vmem>>, %arg13: memref<128x128xf32, #tpu.memory_space<vmem>>, %arg14: memref<128x128xf32, #tpu.memory_space<vmem>>, %arg15: memref<128x128xf32, #tpu.memory_space<vmem>>, %arg16: memref<10112x128xf32, #tpu.memory_space<vmem_shared>>, %arg17: memref<!tpu.dma_semaphore, #tpu.memory_space<semaphore_mem>>, %arg18: memref<!tpu.dma_semaphore, #tpu.memory_space<semaphore_mem>>, %arg19: memref<!tpu.dma_semaphore, #tpu.memory_space<semaphore_mem>>) attributes {dimension_semantics = [#tpu.dimension_semantics<core_parallel>, #tpu.dimension_semantics<subcore_parallel>], iteration_bounds = array<i64: 2, 16>, scalar_prefetch = 0 : i64, scratch_operands = 13 : i64, tpu.core_type = #tpu.core_type<sc_vector_subcore>, window_params = [{transform_indices = #map}, {transform_indices = #map1}, {transform_indices = #map1}, {transform_indices = #map}, {transform_indices = #map2}]} {
    %mul3A = arith.constant 10000 : i32
    %mul3A_0 = arith.muli %arg0, %mul3A : i32
    %broadcast_in_dim3A = arith.constant 1 : i32
    %broadcast_in_dim3A_1 = vector.broadcast %broadcast_in_dim3A : i32 to vector<16xi32>
    %mul3A_2 = vector.broadcast %mul3A_0 : i32 to vector<16xi32>
    %mul3A_3 = arith.muli %broadcast_in_dim3A_1, %mul3A_2 : vector<16xi32>
    %mul3A_4 = arith.constant 632 : i32
    %mul3A_5 = arith.muli %arg1, %mul3A_4 : i32
    "tpu.region"() ({
      %run_scoped3A = tpu.sem_alloc : memref<!tpu.dma_semaphore, #tpu.memory_space<semaphore_mem>>
      %dma_start3A_46 = arith.constant 0 : i32
      %dma_start3A_47 = tpu.memref_slice %arg16[%mul3A_5, %dma_start3A_46] : memref<10112x128xf32, #tpu.memory_space<vmem_shared>> -> memref<632x128xf32, #tpu.memory_space<vmem_shared>>
      %dma_start3A_48 = arith.constant 0 : i32
      %dma_start3A_49 = arith.constant 0 : i32
      %dma_start3A_50 = tpu.memref_slice %arg5[%dma_start3A_48, %dma_start3A_49] : memref<632x128xf32, #tpu.memory_space<hbm>> -> memref<632x128xf32, #tpu.memory_space<hbm>>
      tpu.enqueue_dma source(%dma_start3A_50 : memref<632x128xf32, #tpu.memory_space<hbm>>) target(%dma_start3A_47 : memref<632x128xf32, #tpu.memory_space<vmem_shared>>) target_semaphore(%run_scoped3A : memref<!tpu.dma_semaphore, #tpu.memory_space<semaphore_mem>>)
      %dma_wait3A_51 = arith.constant 0 : i32
      %dma_wait3A_52 = tpu.memref_slice %arg16[%mul3A_5, %dma_wait3A_51] : memref<10112x128xf32, #tpu.memory_space<vmem_shared>> -> memref<632x128xf32, #tpu.memory_space<vmem_shared>>
      %dma_wait3A_53 = arith.constant 0 : i32
      %dma_wait3A_54 = arith.constant 0 : i32
      %dma_wait3A_55 = tpu.memref_slice %arg5[%dma_wait3A_53, %dma_wait3A_54] : memref<632x128xf32, #tpu.memory_space<hbm>> -> memref<632x128xf32, #tpu.memory_space<hbm>>
      tpu.wait_dma2 semaphore(%run_scoped3A : memref<!tpu.dma_semaphore, #tpu.memory_space<semaphore_mem>>) src(%dma_wait3A_55 : memref<632x128xf32, #tpu.memory_space<hbm>>) dst(%dma_wait3A_52 : memref<632x128xf32, #tpu.memory_space<vmem_shared>>)
      tpu.yield
    }) : () -> ()
    %barrier3A = arith.constant 0 : index
    tpu.barrier barrier_id(%barrier3A)
    %mul3A_6 = arith.constant 20000 : i32
    %mul3A_7 = arith.muli %arg1, %mul3A_6 : i32
    %scan3A = arith.constant 0 : i32
    %scan3A_8 = arith.constant 52 : i32
    %scan3A_9 = arith.addi %scan3A, %scan3A_8 : i32
    %scan3A_10 = arith.constant 1 : i32
    scf.for %scan3A_46 = %scan3A to %scan3A_9 step %scan3A_10  : i32 {
      %mul3A_47 = arith.constant 1 : i32
      %mul3A_48 = arith.muli %scan3A_46, %mul3A_47 : i32
      %add3A_49 = arith.constant 0 : i32
      %add3A_50 = arith.addi %add3A_49, %mul3A_48 : i32
      %mul3A_51 = arith.constant 3 : i32
      %mul3A_52 = arith.muli %mul3A_51, %add3A_50 : i32
      %mul3A_53 = arith.constant 128 : i32
      %mul3A_54 = arith.muli %mul3A_52, %mul3A_53 : i32
      %add3A_55 = arith.addi %mul3A_7, %mul3A_54 : i32
      "tpu.region"() ({
        %run_scoped3A = tpu.sem_alloc : memref<!tpu.dma_semaphore, #tpu.memory_space<semaphore_mem>>
        %dma_start3A_300 = arith.constant 0 : i32
        %dma_start3A_301 = tpu.memref_slice %arg7[%dma_start3A_300] : memref<128xi32, #tpu.memory_space<vmem>> -> memref<128xi32, #tpu.memory_space<vmem>>
        %dma_start3A_302 = tpu.memref_slice %arg4[%add3A_55] : memref<320000xi32, #tpu.memory_space<hbm>> -> memref<128xi32, #tpu.memory_space<hbm>>
        %dma_start3A_303 = arith.constant 0 : i32
        %dma_start3A_304 = tpu.memref_slice %arg7[%dma_start3A_303] : memref<128xi32, #tpu.memory_space<vmem>> -> memref<128xi32, #tpu.memory_space<vmem>>
        %dma_start3A_305 = tpu.memref_slice %arg4[%add3A_55] : memref<320000xi32, #tpu.memory_space<hbm>> -> memref<128xi32, #tpu.memory_space<hbm>>
        tpu.enqueue_dma source(%dma_start3A_305 : memref<128xi32, #tpu.memory_space<hbm>>) target(%dma_start3A_304 : memref<128xi32, #tpu.memory_space<vmem>>) target_semaphore(%run_scoped3A : memref<!tpu.dma_semaphore, #tpu.memory_space<semaphore_mem>>)
        %dma_wait3A_306 = arith.constant 0 : i32
        %dma_wait3A_307 = tpu.memref_slice %arg7[%dma_wait3A_306] : memref<128xi32, #tpu.memory_space<vmem>> -> memref<128xi32, #tpu.memory_space<vmem>>
        %dma_wait3A_308 = tpu.memref_slice %arg4[%add3A_55] : memref<320000xi32, #tpu.memory_space<hbm>> -> memref<128xi32, #tpu.memory_space<hbm>>
        %dma_wait3A_309 = arith.constant 0 : i32
        %dma_wait3A_310 = tpu.memref_slice %arg7[%dma_wait3A_309] : memref<128xi32, #tpu.memory_space<vmem>> -> memref<128xi32, #tpu.memory_space<vmem>>
        %dma_wait3A_311 = tpu.memref_slice %arg4[%add3A_55] : memref<320000xi32, #tpu.memory_space<hbm>> -> memref<128xi32, #tpu.memory_space<hbm>>
        tpu.wait_dma2 semaphore(%run_scoped3A : memref<!tpu.dma_semaphore, #tpu.memory_space<semaphore_mem>>) src(%dma_wait3A_311 : memref<128xi32, #tpu.memory_space<hbm>>) dst(%dma_wait3A_310 : memref<128xi32, #tpu.memory_space<vmem>>)
        tpu.yield
      }) : () -> ()
      "tpu.region"() ({
        %run_scoped3A = tpu.sem_alloc : memref<!tpu.dma_semaphore, #tpu.memory_space<semaphore_mem>>
        %dma_start3A_300 = arith.constant 0 : i32
        %dma_start3A_301 = tpu.memref_slice %arg10[%dma_start3A_300] : memref<128xi32, #tpu.memory_space<vmem>> -> memref<128xi32, #tpu.memory_space<vmem>>
        %dma_start3A_302 = tpu.memref_slice %arg3[%add3A_55] : memref<320000xi32, #tpu.memory_space<hbm>> -> memref<128xi32, #tpu.memory_space<hbm>>
        %dma_start3A_303 = arith.constant 0 : i32
        %dma_start3A_304 = tpu.memref_slice %arg10[%dma_start3A_303] : memref<128xi32, #tpu.memory_space<vmem>> -> memref<128xi32, #tpu.memory_space<vmem>>
        %dma_start3A_305 = tpu.memref_slice %arg3[%add3A_55] : memref<320000xi32, #tpu.memory_space<hbm>> -> memref<128xi32, #tpu.memory_space<hbm>>
        tpu.enqueue_dma source(%dma_start3A_305 : memref<128xi32, #tpu.memory_space<hbm>>) target(%dma_start3A_304 : memref<128xi32, #tpu.memory_space<vmem>>) target_semaphore(%run_scoped3A : memref<!tpu.dma_semaphore, #tpu.memory_space<semaphore_mem>>)
        %dma_wait3A_306 = arith.constant 0 : i32
        %dma_wait3A_307 = tpu.memref_slice %arg10[%dma_wait3A_306] : memref<128xi32, #tpu.memory_space<vmem>> -> memref<128xi32, #tpu.memory_space<vmem>>
        %dma_wait3A_308 = tpu.memref_slice %arg3[%add3A_55] : memref<320000xi32, #tpu.memory_space<hbm>> -> memref<128xi32, #tpu.memory_space<hbm>>
        %dma_wait3A_309 = arith.constant 0 : i32
        %dma_wait3A_310 = tpu.memref_slice %arg10[%dma_wait3A_309] : memref<128xi32, #tpu.memory_space<vmem>> -> memref<128xi32, #tpu.memory_space<vmem>>
        %dma_wait3A_311 = tpu.memref_slice %arg3[%add3A_55] : memref<320000xi32, #tpu.memory_space<hbm>> -> memref<128xi32, #tpu.memory_space<hbm>>
        tpu.wait_dma2 semaphore(%run_scoped3A : memref<!tpu.dma_semaphore, #tpu.memory_space<semaphore_mem>>) src(%dma_wait3A_311 : memref<128xi32, #tpu.memory_space<hbm>>) dst(%dma_wait3A_310 : memref<128xi32, #tpu.memory_space<vmem>>)
        tpu.yield
      }) : () -> ()
      %get3A_56 = arith.constant 0 : index
      %get3A_57 = tpu.vector_load %arg7[%get3A_56] {strides = array<i32>} : memref<128xi32, #tpu.memory_space<vmem>>, vector<16xi32>,
      %get3A_58 = vector.shape_cast %get3A_57 : vector<16xi32> to vector<16xi32>
      %add3A_59 = arith.addi %get3A_58, %mul3A_3 : vector<16xi32>
      %swap3A_60 = arith.constant 0 : index
      %swap3A_61 = tpu.vector_load %arg7[%swap3A_60] {strides = array<i32>} : memref<128xi32, #tpu.memory_space<vmem>>, vector<16xi32>,
      %swap3A_62 = vector.shape_cast %swap3A_61 : vector<16xi32> to vector<16xi32>
      %swap3A_63 = vector.shape_cast %add3A_59 : vector<16xi32> to vector<16xi32>
      tpu.vector_store %arg7[%swap3A_60], %swap3A_63 {strides = array<i32>} : memref<128xi32, #tpu.memory_space<vmem>>, vector<16xi32>,
      %get3A_64 = arith.constant 16 : index
      %get3A_65 = tpu.vector_load %arg7[%get3A_64] {strides = array<i32>} : memref<128xi32, #tpu.memory_space<vmem>>, vector<16xi32>,
      %get3A_66 = vector.shape_cast %get3A_65 : vector<16xi32> to vector<16xi32>
      %add3A_67 = arith.addi %get3A_66, %mul3A_3 : vector<16xi32>
      %swap3A_68 = arith.constant 16 : index
      %swap3A_69 = tpu.vector_load %arg7[%swap3A_68] {strides = array<i32>} : memref<128xi32, #tpu.memory_space<vmem>>, vector<16xi32>,
      %swap3A_70 = vector.shape_cast %swap3A_69 : vector<16xi32> to vector<16xi32>
      %swap3A_71 = vector.shape_cast %add3A_67 : vector<16xi32> to vector<16xi32>
      tpu.vector_store %arg7[%swap3A_68], %swap3A_71 {strides = array<i32>} : memref<128xi32, #tpu.memory_space<vmem>>, vector<16xi32>,
      %get3A_72 = arith.constant 32 : index
      %get3A_73 = tpu.vector_load %arg7[%get3A_72] {strides = array<i32>} : memref<128xi32, #tpu.memory_space<vmem>>, vector<16xi32>,
      %get3A_74 = vector.shape_cast %get3A_73 : vector<16xi32> to vector<16xi32>
      %add3A_75 = arith.addi %get3A_74, %mul3A_3 : vector<16xi32>
      %swap3A_76 = arith.constant 32 : index
      %swap3A_77 = tpu.vector_load %arg7[%swap3A_76] {strides = array<i32>} : memref<128xi32, #tpu.memory_space<vmem>>, vector<16xi32>,
      %swap3A_78 = vector.shape_cast %swap3A_77 : vector<16xi32> to vector<16xi32>
      %swap3A_79 = vector.shape_cast %add3A_75 : vector<16xi32> to vector<16xi32>
      tpu.vector_store %arg7[%swap3A_76], %swap3A_79 {strides = array<i32>} : memref<128xi32, #tpu.memory_space<vmem>>, vector<16xi32>,
      %get3A_80 = arith.constant 48 : index
      %get3A_81 = tpu.vector_load %arg7[%get3A_80] {strides = array<i32>} : memref<128xi32, #tpu.memory_space<vmem>>, vector<16xi32>,
      %get3A_82 = vector.shape_cast %get3A_81 : vector<16xi32> to vector<16xi32>
      %add3A_83 = arith.addi %get3A_82, %mul3A_3 : vector<16xi32>
      %swap3A_84 = arith.constant 48 : index
      %swap3A_85 = tpu.vector_load %arg7[%swap3A_84] {strides = array<i32>} : memref<128xi32, #tpu.memory_space<vmem>>, vector<16xi32>,
      %swap3A_86 = vector.shape_cast %swap3A_85 : vector<16xi32> to vector<16xi32>
      %swap3A_87 = vector.shape_cast %add3A_83 : vector<16xi32> to vector<16xi32>
      tpu.vector_store %arg7[%swap3A_84], %swap3A_87 {strides = array<i32>} : memref<128xi32, #tpu.memory_space<vmem>>, vector<16xi32>,
      %get3A_88 = arith.constant 64 : index
      %get3A_89 = tpu.vector_load %arg7[%get3A_88] {strides = array<i32>} : memref<128xi32, #tpu.memory_space<vmem>>, vector<16xi32>,
      %get3A_90 = vector.shape_cast %get3A_89 : vector<16xi32> to vector<16xi32>
      %add3A_91 = arith.addi %get3A_90, %mul3A_3 : vector<16xi32>
      %swap3A_92 = arith.constant 64 : index
      %swap3A_93 = tpu.vector_load %arg7[%swap3A_92] {strides = array<i32>} : memref<128xi32, #tpu.memory_space<vmem>>, vector<16xi32>,
      %swap3A_94 = vector.shape_cast %swap3A_93 : vector<16xi32> to vector<16xi32>
      %swap3A_95 = vector.shape_cast %add3A_91 : vector<16xi32> to vector<16xi32>
      tpu.vector_store %arg7[%swap3A_92], %swap3A_95 {strides = array<i32>} : memref<128xi32, #tpu.memory_space<vmem>>, vector<16xi32>,
      %get3A_96 = arith.constant 80 : index
      %get3A_97 = tpu.vector_load %arg7[%get3A_96] {strides = array<i32>} : memref<128xi32, #tpu.memory_space<vmem>>, vector<16xi32>,
      %get3A_98 = vector.shape_cast %get3A_97 : vector<16xi32> to vector<16xi32>
      %add3A_99 = arith.addi %get3A_98, %mul3A_3 : vector<16xi32>
      %swap3A_100 = arith.constant 80 : index
      %swap3A_101 = tpu.vector_load %arg7[%swap3A_100] {strides = array<i32>} : memref<128xi32, #tpu.memory_space<vmem>>, vector<16xi32>,
      %swap3A_102 = vector.shape_cast %swap3A_101 : vector<16xi32> to vector<16xi32>
      %swap3A_103 = vector.shape_cast %add3A_99 : vector<16xi32> to vector<16xi32>
      tpu.vector_store %arg7[%swap3A_100], %swap3A_103 {strides = array<i32>} : memref<128xi32, #tpu.memory_space<vmem>>, vector<16xi32>,
      %get3A_104 = arith.constant 96 : index
      %get3A_105 = tpu.vector_load %arg7[%get3A_104] {strides = array<i32>} : memref<128xi32, #tpu.memory_space<vmem>>, vector<16xi32>,
      %get3A_106 = vector.shape_cast %get3A_105 : vector<16xi32> to vector<16xi32>
      %add3A_107 = arith.addi %get3A_106, %mul3A_3 : vector<16xi32>
      %swap3A_108 = arith.constant 96 : index
      %swap3A_109 = tpu.vector_load %arg7[%swap3A_108] {strides = array<i32>} : memref<128xi32, #tpu.memory_space<vmem>>, vector<16xi32>,
      %swap3A_110 = vector.shape_cast %swap3A_109 : vector<16xi32> to vector<16xi32>
      %swap3A_111 = vector.shape_cast %add3A_107 : vector<16xi32> to vector<16xi32>
      tpu.vector_store %arg7[%swap3A_108], %swap3A_111 {strides = array<i32>} : memref<128xi32, #tpu.memory_space<vmem>>, vector<16xi32>,
      %get3A_112 = arith.constant 112 : index
      %get3A_113 = tpu.vector_load %arg7[%get3A_112] {strides = array<i32>} : memref<128xi32, #tpu.memory_space<vmem>>, vector<16xi32>,
      %get3A_114 = vector.shape_cast %get3A_113 : vector<16xi32> to vector<16xi32>
      %add3A_115 = arith.addi %get3A_114, %mul3A_3 : vector<16xi32>
      %swap3A_116 = arith.constant 112 : index
      %swap3A_117 = tpu.vector_load %arg7[%swap3A_116] {strides = array<i32>} : memref<128xi32, #tpu.memory_space<vmem>>, vector<16xi32>,
      %swap3A_118 = vector.shape_cast %swap3A_117 : vector<16xi32> to vector<16xi32>
      %swap3A_119 = vector.shape_cast %add3A_115 : vector<16xi32> to vector<16xi32>
      tpu.vector_store %arg7[%swap3A_116], %swap3A_119 {strides = array<i32>} : memref<128xi32, #tpu.memory_space<vmem>>, vector<16xi32>,
      %dma_start3A_120 = arith.constant 0 : i32
      %dma_start3A_121 = arith.constant 0 : i32
      %dma_start3A_122 = tpu.memref_slice %arg13[%dma_start3A_120, %dma_start3A_121] : memref<128x128xf32, #tpu.memory_space<vmem>> -> memref<128x128xf32, #tpu.memory_space<vmem>>
      %dma_start3A_123 = arith.constant 0 : i32
      %dma_start3A_124 = tpu.memref_slice %arg7[%dma_start3A_123] : memref<128xi32, #tpu.memory_space<vmem>> -> memref<128xi32, #tpu.memory_space<vmem>>
      %dma_start3A_125 = arith.constant 0 : i32
      %dma_start3A_126 = arith.constant 0 : i32
      %dma_start3A_127 = tpu.memref_slice %arg2[%dma_start3A_125, %dma_start3A_126] : memref<20000x128xf32, #tpu.memory_space<hbm>> -> memref<20000x128xf32, #tpu.memory_space<hbm>>
      tpu.enqueue_indirect_dma source(%dma_start3A_127 : memref<20000x128xf32, #tpu.memory_space<hbm>>) target(%dma_start3A_122 : memref<128x128xf32, #tpu.memory_space<vmem>>) offsets(%dma_start3A_124 : memref<128xi32, #tpu.memory_space<vmem>>) semaphore(%arg17 : memref<!tpu.dma_semaphore, #tpu.memory_space<semaphore_mem>>)
      %add3A_128 = arith.constant 128 : i32
      %add3A_129 = arith.addi %add3A_55, %add3A_128 : i32
      "tpu.region"() ({
        %run_scoped3A = tpu.sem_alloc : memref<!tpu.dma_semaphore, #tpu.memory_space<semaphore_mem>>
        %dma_start3A_300 = arith.constant 0 : i32
        %dma_start3A_301 = tpu.memref_slice %arg8[%dma_start3A_300] : memref<128xi32, #tpu.memory_space<vmem>> -> memref<128xi32, #tpu.memory_space<vmem>>
        %dma_start3A_302 = tpu.memref_slice %arg4[%add3A_129] : memref<320000xi32, #tpu.memory_space<hbm>> -> memref<128xi32, #tpu.memory_space<hbm>>
        %dma_start3A_303 = arith.constant 0 : i32
        %dma_start3A_304 = tpu.memref_slice %arg8[%dma_start3A_303] : memref<128xi32, #tpu.memory_space<vmem>> -> memref<128xi32, #tpu.memory_space<vmem>>
        %dma_start3A_305 = tpu.memref_slice %arg4[%add3A_129] : memref<320000xi32, #tpu.memory_space<hbm>> -> memref<128xi32, #tpu.memory_space<hbm>>
        tpu.enqueue_dma source(%dma_start3A_305 : memref<128xi32, #tpu.memory_space<hbm>>) target(%dma_start3A_304 : memref<128xi32, #tpu.memory_space<vmem>>) target_semaphore(%run_scoped3A : memref<!tpu.dma_semaphore, #tpu.memory_space<semaphore_mem>>)
        %dma_wait3A_306 = arith.constant 0 : i32
        %dma_wait3A_307 = tpu.memref_slice %arg8[%dma_wait3A_306] : memref<128xi32, #tpu.memory_space<vmem>> -> memref<128xi32, #tpu.memory_space<vmem>>
        %dma_wait3A_308 = tpu.memref_slice %arg4[%add3A_129] : memref<320000xi32, #tpu.memory_space<hbm>> -> memref<128xi32, #tpu.memory_space<hbm>>
        %dma_wait3A_309 = arith.constant 0 : i32
        %dma_wait3A_310 = tpu.memref_slice %arg8[%dma_wait3A_309] : memref<128xi32, #tpu.memory_space<vmem>> -> memref<128xi32, #tpu.memory_space<vmem>>
        %dma_wait3A_311 = tpu.memref_slice %arg4[%add3A_129] : memref<320000xi32, #tpu.memory_space<hbm>> -> memref<128xi32, #tpu.memory_space<hbm>>
        tpu.wait_dma2 semaphore(%run_scoped3A : memref<!tpu.dma_semaphore, #tpu.memory_space<semaphore_mem>>) src(%dma_wait3A_311 : memref<128xi32, #tpu.memory_space<hbm>>) dst(%dma_wait3A_310 : memref<128xi32, #tpu.memory_space<vmem>>)
        tpu.yield
      }) : () -> ()
      "tpu.region"() ({
        %run_scoped3A = tpu.sem_alloc : memref<!tpu.dma_semaphore, #tpu.memory_space<semaphore_mem>>
        %dma_start3A_300 = arith.constant 0 : i32
        %dma_start3A_301 = tpu.memref_slice %arg11[%dma_start3A_300] : memref<128xi32, #tpu.memory_space<vmem>> -> memref<128xi32, #tpu.memory_space<vmem>>
        %dma_start3A_302 = tpu.memref_slice %arg3[%add3A_129] : memref<320000xi32, #tpu.memory_space<hbm>> -> memref<128xi32, #tpu.memory_space<hbm>>
        %dma_start3A_303 = arith.constant 0 : i32
        %dma_start3A_304 = tpu.memref_slice %arg11[%dma_start3A_303] : memref<128xi32, #tpu.memory_space<vmem>> -> memref<128xi32, #tpu.memory_space<vmem>>
        %dma_start3A_305 = tpu.memref_slice %arg3[%add3A_129] : memref<320000xi32, #tpu.memory_space<hbm>> -> memref<128xi32, #tpu.memory_space<hbm>>
        tpu.enqueue_dma source(%dma_start3A_305 : memref<128xi32, #tpu.memory_space<hbm>>) target(%dma_start3A_304 : memref<128xi32, #tpu.memory_space<vmem>>) target_semaphore(%run_scoped3A : memref<!tpu.dma_semaphore, #tpu.memory_space<semaphore_mem>>)
        %dma_wait3A_306 = arith.constant 0 : i32
        %dma_wait3A_307 = tpu.memref_slice %arg11[%dma_wait3A_306] : memref<128xi32, #tpu.memory_space<vmem>> -> memref<128xi32, #tpu.memory_space<vmem>>
        %dma_wait3A_308 = tpu.memref_slice %arg3[%add3A_129] : memref<320000xi32, #tpu.memory_space<hbm>> -> memref<128xi32, #tpu.memory_space<hbm>>
        %dma_wait3A_309 = arith.constant 0 : i32
        %dma_wait3A_310 = tpu.memref_slice %arg11[%dma_wait3A_309] : memref<128xi32, #tpu.memory_space<vmem>> -> memref<128xi32, #tpu.memory_space<vmem>>
        %dma_wait3A_311 = tpu.memref_slice %arg3[%add3A_129] : memref<320000xi32, #tpu.memory_space<hbm>> -> memref<128xi32, #tpu.memory_space<hbm>>
        tpu.wait_dma2 semaphore(%run_scoped3A : memref<!tpu.dma_semaphore, #tpu.memory_space<semaphore_mem>>) src(%dma_wait3A_311 : memref<128xi32, #tpu.memory_space<hbm>>) dst(%dma_wait3A_310 : memref<128xi32, #tpu.memory_space<vmem>>)
        tpu.yield
      }) : () -> ()
      %get3A_130 = arith.constant 0 : index
      %get3A_131 = tpu.vector_load %arg8[%get3A_130] {strides = array<i32>} : memref<128xi32, #tpu.memory_space<vmem>>, vector<16xi32>,
      %get3A_132 = vector.shape_cast %get3A_131 : vector<16xi32> to vector<16xi32>
      %add3A_133 = arith.addi %get3A_132, %mul3A_3 : vector<16xi32>
      %swap3A_134 = arith.constant 0 : index
      %swap3A_135 = tpu.vector_load %arg8[%swap3A_134] {strides = array<i32>} : memref<128xi32, #tpu.memory_space<vmem>>, vector<16xi32>,
      %swap3A_136 = vector.shape_cast %swap3A_135 : vector<16xi32> to vector<16xi32>
      %swap3A_137 = vector.shape_cast %add3A_133 : vector<16xi32> to vector<16xi32>
      tpu.vector_store %arg8[%swap3A_134], %swap3A_137 {strides = array<i32>} : memref<128xi32, #tpu.memory_space<vmem>>, vector<16xi32>,
      %get3A_138 = arith.constant 16 : index
      %get3A_139 = tpu.vector_load %arg8[%get3A_138] {strides = array<i32>} : memref<128xi32, #tpu.memory_space<vmem>>, vector<16xi32>,
      %get3A_140 = vector.shape_cast %get3A_139 : vector<16xi32> to vector<16xi32>
      %add3A_141 = arith.addi %get3A_140, %mul3A_3 : vector<16xi32>
      %swap3A_142 = arith.constant 16 : index
      %swap3A_143 = tpu.vector_load %arg8[%swap3A_142] {strides = array<i32>} : memref<128xi32, #tpu.memory_space<vmem>>, vector<16xi32>,
      %swap3A_144 = vector.shape_cast %swap3A_143 : vector<16xi32> to vector<16xi32>
      %swap3A_145 = vector.shape_cast %add3A_141 : vector<16xi32> to vector<16xi32>
      tpu.vector_store %arg8[%swap3A_142], %swap3A_145 {strides = array<i32>} : memref<128xi32, #tpu.memory_space<vmem>>, vector<16xi32>,
      %get3A_146 = arith.constant 32 : index
      %get3A_147 = tpu.vector_load %arg8[%get3A_146] {strides = array<i32>} : memref<128xi32, #tpu.memory_space<vmem>>, vector<16xi32>,
      %get3A_148 = vector.shape_cast %get3A_147 : vector<16xi32> to vector<16xi32>
      %add3A_149 = arith.addi %get3A_148, %mul3A_3 : vector<16xi32>
      %swap3A_150 = arith.constant 32 : index
      %swap3A_151 = tpu.vector_load %arg8[%swap3A_150] {strides = array<i32>} : memref<128xi32, #tpu.memory_space<vmem>>, vector<16xi32>,
      %swap3A_152 = vector.shape_cast %swap3A_151 : vector<16xi32> to vector<16xi32>
      %swap3A_153 = vector.shape_cast %add3A_149 : vector<16xi32> to vector<16xi32>
      tpu.vector_store %arg8[%swap3A_150], %swap3A_153 {strides = array<i32>} : memref<128xi32, #tpu.memory_space<vmem>>, vector<16xi32>,
      %get3A_154 = arith.constant 48 : index
      %get3A_155 = tpu.vector_load %arg8[%get3A_154] {strides = array<i32>} : memref<128xi32, #tpu.memory_space<vmem>>, vector<16xi32>,
      %get3A_156 = vector.shape_cast %get3A_155 : vector<16xi32> to vector<16xi32>
      %add3A_157 = arith.addi %get3A_156, %mul3A_3 : vector<16xi32>
      %swap3A_158 = arith.constant 48 : index
      %swap3A_159 = tpu.vector_load %arg8[%swap3A_158] {strides = array<i32>} : memref<128xi32, #tpu.memory_space<vmem>>, vector<16xi32>,
      %swap3A_160 = vector.shape_cast %swap3A_159 : vector<16xi32> to vector<16xi32>
      %swap3A_161 = vector.shape_cast %add3A_157 : vector<16xi32> to vector<16xi32>
      tpu.vector_store %arg8[%swap3A_158], %swap3A_161 {strides = array<i32>} : memref<128xi32, #tpu.memory_space<vmem>>, vector<16xi32>,
      %get3A_162 = arith.constant 64 : index
      %get3A_163 = tpu.vector_load %arg8[%get3A_162] {strides = array<i32>} : memref<128xi32, #tpu.memory_space<vmem>>, vector<16xi32>,
      %get3A_164 = vector.shape_cast %get3A_163 : vector<16xi32> to vector<16xi32>
      %add3A_165 = arith.addi %get3A_164, %mul3A_3 : vector<16xi32>
      %swap3A_166 = arith.constant 64 : index
      %swap3A_167 = tpu.vector_load %arg8[%swap3A_166] {strides = array<i32>} : memref<128xi32, #tpu.memory_space<vmem>>, vector<16xi32>,
      %swap3A_168 = vector.shape_cast %swap3A_167 : vector<16xi32> to vector<16xi32>
      %swap3A_169 = vector.shape_cast %add3A_165 : vector<16xi32> to vector<16xi32>
      tpu.vector_store %arg8[%swap3A_166], %swap3A_169 {strides = array<i32>} : memref<128xi32, #tpu.memory_space<vmem>>, vector<16xi32>,
      %get3A_170 = arith.constant 80 : index
      %get3A_171 = tpu.vector_load %arg8[%get3A_170] {strides = array<i32>} : memref<128xi32, #tpu.memory_space<vmem>>, vector<16xi32>,
      %get3A_172 = vector.shape_cast %get3A_171 : vector<16xi32> to vector<16xi32>
      %add3A_173 = arith.addi %get3A_172, %mul3A_3 : vector<16xi32>
      %swap3A_174 = arith.constant 80 : index
      %swap3A_175 = tpu.vector_load %arg8[%swap3A_174] {strides = array<i32>} : memref<128xi32, #tpu.memory_space<vmem>>, vector<16xi32>,
      %swap3A_176 = vector.shape_cast %swap3A_175 : vector<16xi32> to vector<16xi32>
      %swap3A_177 = vector.shape_cast %add3A_173 : vector<16xi32> to vector<16xi32>
      tpu.vector_store %arg8[%swap3A_174], %swap3A_177 {strides = array<i32>} : memref<128xi32, #tpu.memory_space<vmem>>, vector<16xi32>,
      %get3A_178 = arith.constant 96 : index
      %get3A_179 = tpu.vector_load %arg8[%get3A_178] {strides = array<i32>} : memref<128xi32, #tpu.memory_space<vmem>>, vector<16xi32>,
      %get3A_180 = vector.shape_cast %get3A_179 : vector<16xi32> to vector<16xi32>
      %add3A_181 = arith.addi %get3A_180, %mul3A_3 : vector<16xi32>
      %swap3A_182 = arith.constant 96 : index
      %swap3A_183 = tpu.vector_load %arg8[%swap3A_182] {strides = array<i32>} : memref<128xi32, #tpu.memory_space<vmem>>, vector<16xi32>,
      %swap3A_184 = vector.shape_cast %swap3A_183 : vector<16xi32> to vector<16xi32>
      %swap3A_185 = vector.shape_cast %add3A_181 : vector<16xi32> to vector<16xi32>
      tpu.vector_store %arg8[%swap3A_182], %swap3A_185 {strides = array<i32>} : memref<128xi32, #tpu.memory_space<vmem>>, vector<16xi32>,
      %get3A_186 = arith.constant 112 : index
      %get3A_187 = tpu.vector_load %arg8[%get3A_186] {strides = array<i32>} : memref<128xi32, #tpu.memory_space<vmem>>, vector<16xi32>,
      %get3A_188 = vector.shape_cast %get3A_187 : vector<16xi32> to vector<16xi32>
      %add3A_189 = arith.addi %get3A_188, %mul3A_3 : vector<16xi32>
      %swap3A_190 = arith.constant 112 : index
      %swap3A_191 = tpu.vector_load %arg8[%swap3A_190] {strides = array<i32>} : memref<128xi32, #tpu.memory_space<vmem>>, vector<16xi32>,
      %swap3A_192 = vector.shape_cast %swap3A_191 : vector<16xi32> to vector<16xi32>
      %swap3A_193 = vector.shape_cast %add3A_189 : vector<16xi32> to vector<16xi32>
      tpu.vector_store %arg8[%swap3A_190], %swap3A_193 {strides = array<i32>} : memref<128xi32, #tpu.memory_space<vmem>>, vector<16xi32>,
      %dma_start3A_194 = arith.constant 0 : i32
      %dma_start3A_195 = arith.constant 0 : i32
      %dma_start3A_196 = tpu.memref_slice %arg14[%dma_start3A_194, %dma_start3A_195] : memref<128x128xf32, #tpu.memory_space<vmem>> -> memref<128x128xf32, #tpu.memory_space<vmem>>
      %dma_start3A_197 = arith.constant 0 : i32
      %dma_start3A_198 = tpu.memref_slice %arg8[%dma_start3A_197] : memref<128xi32, #tpu.memory_space<vmem>> -> memref<128xi32, #tpu.memory_space<vmem>>
      %dma_start3A_199 = arith.constant 0 : i32
      %dma_start3A_200 = arith.constant 0 : i32
      %dma_start3A_201 = tpu.memref_slice %arg2[%dma_start3A_199, %dma_start3A_200] : memref<20000x128xf32, #tpu.memory_space<hbm>> -> memref<20000x128xf32, #tpu.memory_space<hbm>>
      tpu.enqueue_indirect_dma source(%dma_start3A_201 : memref<20000x128xf32, #tpu.memory_space<hbm>>) target(%dma_start3A_196 : memref<128x128xf32, #tpu.memory_space<vmem>>) offsets(%dma_start3A_198 : memref<128xi32, #tpu.memory_space<vmem>>) semaphore(%arg18 : memref<!tpu.dma_semaphore, #tpu.memory_space<semaphore_mem>>)
      %add3A_202 = arith.constant 256 : i32
      %add3A_203 = arith.addi %add3A_55, %add3A_202 : i32
      "tpu.region"() ({
        %run_scoped3A = tpu.sem_alloc : memref<!tpu.dma_semaphore, #tpu.memory_space<semaphore_mem>>
        %dma_start3A_300 = arith.constant 0 : i32
        %dma_start3A_301 = tpu.memref_slice %arg9[%dma_start3A_300] : memref<128xi32, #tpu.memory_space<vmem>> -> memref<128xi32, #tpu.memory_space<vmem>>
        %dma_start3A_302 = tpu.memref_slice %arg4[%add3A_203] : memref<320000xi32, #tpu.memory_space<hbm>> -> memref<128xi32, #tpu.memory_space<hbm>>
        %dma_start3A_303 = arith.constant 0 : i32
        %dma_start3A_304 = tpu.memref_slice %arg9[%dma_start3A_303] : memref<128xi32, #tpu.memory_space<vmem>> -> memref<128xi32, #tpu.memory_space<vmem>>
        %dma_start3A_305 = tpu.memref_slice %arg4[%add3A_203] : memref<320000xi32, #tpu.memory_space<hbm>> -> memref<128xi32, #tpu.memory_space<hbm>>
        tpu.enqueue_dma source(%dma_start3A_305 : memref<128xi32, #tpu.memory_space<hbm>>) target(%dma_start3A_304 : memref<128xi32, #tpu.memory_space<vmem>>) target_semaphore(%run_scoped3A : memref<!tpu.dma_semaphore, #tpu.memory_space<semaphore_mem>>)
        %dma_wait3A_306 = arith.constant 0 : i32
        %dma_wait3A_307 = tpu.memref_slice %arg9[%dma_wait3A_306] : memref<128xi32, #tpu.memory_space<vmem>> -> memref<128xi32, #tpu.memory_space<vmem>>
        %dma_wait3A_308 = tpu.memref_slice %arg4[%add3A_203] : memref<320000xi32, #tpu.memory_space<hbm>> -> memref<128xi32, #tpu.memory_space<hbm>>
        %dma_wait3A_309 = arith.constant 0 : i32
        %dma_wait3A_310 = tpu.memref_slice %arg9[%dma_wait3A_309] : memref<128xi32, #tpu.memory_space<vmem>> -> memref<128xi32, #tpu.memory_space<vmem>>
        %dma_wait3A_311 = tpu.memref_slice %arg4[%add3A_203] : memref<320000xi32, #tpu.memory_space<hbm>> -> memref<128xi32, #tpu.memory_space<hbm>>
        tpu.wait_dma2 semaphore(%run_scoped3A : memref<!tpu.dma_semaphore, #tpu.memory_space<semaphore_mem>>) src(%dma_wait3A_311 : memref<128xi32, #tpu.memory_space<hbm>>) dst(%dma_wait3A_310 : memref<128xi32, #tpu.memory_space<vmem>>)
        tpu.yield
      }) : () -> ()
      "tpu.region"() ({
        %run_scoped3A = tpu.sem_alloc : memref<!tpu.dma_semaphore, #tpu.memory_space<semaphore_mem>>
        %dma_start3A_300 = arith.constant 0 : i32
        %dma_start3A_301 = tpu.memref_slice %arg12[%dma_start3A_300] : memref<128xi32, #tpu.memory_space<vmem>> -> memref<128xi32, #tpu.memory_space<vmem>>
        %dma_start3A_302 = tpu.memref_slice %arg3[%add3A_203] : memref<320000xi32, #tpu.memory_space<hbm>> -> memref<128xi32, #tpu.memory_space<hbm>>
        %dma_start3A_303 = arith.constant 0 : i32
        %dma_start3A_304 = tpu.memref_slice %arg12[%dma_start3A_303] : memref<128xi32, #tpu.memory_space<vmem>> -> memref<128xi32, #tpu.memory_space<vmem>>
        %dma_start3A_305 = tpu.memref_slice %arg3[%add3A_203] : memref<320000xi32, #tpu.memory_space<hbm>> -> memref<128xi32, #tpu.memory_space<hbm>>
        tpu.enqueue_dma source(%dma_start3A_305 : memref<128xi32, #tpu.memory_space<hbm>>) target(%dma_start3A_304 : memref<128xi32, #tpu.memory_space<vmem>>) target_semaphore(%run_scoped3A : memref<!tpu.dma_semaphore, #tpu.memory_space<semaphore_mem>>)
        %dma_wait3A_306 = arith.constant 0 : i32
        %dma_wait3A_307 = tpu.memref_slice %arg12[%dma_wait3A_306] : memref<128xi32, #tpu.memory_space<vmem>> -> memref<128xi32, #tpu.memory_space<vmem>>
        %dma_wait3A_308 = tpu.memref_slice %arg3[%add3A_203] : memref<320000xi32, #tpu.memory_space<hbm>> -> memref<128xi32, #tpu.memory_space<hbm>>
        %dma_wait3A_309 = arith.constant 0 : i32
        %dma_wait3A_310 = tpu.memref_slice %arg12[%dma_wait3A_309] : memref<128xi32, #tpu.memory_space<vmem>> -> memref<128xi32, #tpu.memory_space<vmem>>
        %dma_wait3A_311 = tpu.memref_slice %arg3[%add3A_203] : memref<320000xi32, #tpu.memory_space<hbm>> -> memref<128xi32, #tpu.memory_space<hbm>>
        tpu.wait_dma2 semaphore(%run_scoped3A : memref<!tpu.dma_semaphore, #tpu.memory_space<semaphore_mem>>) src(%dma_wait3A_311 : memref<128xi32, #tpu.memory_space<hbm>>) dst(%dma_wait3A_310 : memref<128xi32, #tpu.memory_space<vmem>>)
        tpu.yield
      }) : () -> ()
      %get3A_204 = arith.constant 0 : index
      %get3A_205 = tpu.vector_load %arg9[%get3A_204] {strides = array<i32>} : memref<128xi32, #tpu.memory_space<vmem>>, vector<16xi32>,
      %get3A_206 = vector.shape_cast %get3A_205 : vector<16xi32> to vector<16xi32>
      %add3A_207 = arith.addi %get3A_206, %mul3A_3 : vector<16xi32>
      %swap3A_208 = arith.constant 0 : index
      %swap3A_209 = tpu.vector_load %arg9[%swap3A_208] {strides = array<i32>} : memref<128xi32, #tpu.memory_space<vmem>>, vector<16xi32>,
      %swap3A_210 = vector.shape_cast %swap3A_209 : vector<16xi32> to vector<16xi32>
      %swap3A_211 = vector.shape_cast %add3A_207 : vector<16xi32> to vector<16xi32>
      tpu.vector_store %arg9[%swap3A_208], %swap3A_211 {strides = array<i32>} : memref<128xi32, #tpu.memory_space<vmem>>, vector<16xi32>,
      %get3A_212 = arith.constant 16 : index
      %get3A_213 = tpu.vector_load %arg9[%get3A_212] {strides = array<i32>} : memref<128xi32, #tpu.memory_space<vmem>>, vector<16xi32>,
      %get3A_214 = vector.shape_cast %get3A_213 : vector<16xi32> to vector<16xi32>
      %add3A_215 = arith.addi %get3A_214, %mul3A_3 : vector<16xi32>
      %swap3A_216 = arith.constant 16 : index
      %swap3A_217 = tpu.vector_load %arg9[%swap3A_216] {strides = array<i32>} : memref<128xi32, #tpu.memory_space<vmem>>, vector<16xi32>,
      %swap3A_218 = vector.shape_cast %swap3A_217 : vector<16xi32> to vector<16xi32>
      %swap3A_219 = vector.shape_cast %add3A_215 : vector<16xi32> to vector<16xi32>
      tpu.vector_store %arg9[%swap3A_216], %swap3A_219 {strides = array<i32>} : memref<128xi32, #tpu.memory_space<vmem>>, vector<16xi32>,
      %get3A_220 = arith.constant 32 : index
      %get3A_221 = tpu.vector_load %arg9[%get3A_220] {strides = array<i32>} : memref<128xi32, #tpu.memory_space<vmem>>, vector<16xi32>,
      %get3A_222 = vector.shape_cast %get3A_221 : vector<16xi32> to vector<16xi32>
      %add3A_223 = arith.addi %get3A_222, %mul3A_3 : vector<16xi32>
      %swap3A_224 = arith.constant 32 : index
      %swap3A_225 = tpu.vector_load %arg9[%swap3A_224] {strides = array<i32>} : memref<128xi32, #tpu.memory_space<vmem>>, vector<16xi32>,
      %swap3A_226 = vector.shape_cast %swap3A_225 : vector<16xi32> to vector<16xi32>
      %swap3A_227 = vector.shape_cast %add3A_223 : vector<16xi32> to vector<16xi32>
      tpu.vector_store %arg9[%swap3A_224], %swap3A_227 {strides = array<i32>} : memref<128xi32, #tpu.memory_space<vmem>>, vector<16xi32>,
      %get3A_228 = arith.constant 48 : index
      %get3A_229 = tpu.vector_load %arg9[%get3A_228] {strides = array<i32>} : memref<128xi32, #tpu.memory_space<vmem>>, vector<16xi32>,
      %get3A_230 = vector.shape_cast %get3A_229 : vector<16xi32> to vector<16xi32>
      %add3A_231 = arith.addi %get3A_230, %mul3A_3 : vector<16xi32>
      %swap3A_232 = arith.constant 48 : index
      %swap3A_233 = tpu.vector_load %arg9[%swap3A_232] {strides = array<i32>} : memref<128xi32, #tpu.memory_space<vmem>>, vector<16xi32>,
      %swap3A_234 = vector.shape_cast %swap3A_233 : vector<16xi32> to vector<16xi32>
      %swap3A_235 = vector.shape_cast %add3A_231 : vector<16xi32> to vector<16xi32>
      tpu.vector_store %arg9[%swap3A_232], %swap3A_235 {strides = array<i32>} : memref<128xi32, #tpu.memory_space<vmem>>, vector<16xi32>,
      %get3A_236 = arith.constant 64 : index
      %get3A_237 = tpu.vector_load %arg9[%get3A_236] {strides = array<i32>} : memref<128xi32, #tpu.memory_space<vmem>>, vector<16xi32>,
      %get3A_238 = vector.shape_cast %get3A_237 : vector<16xi32> to vector<16xi32>
      %add3A_239 = arith.addi %get3A_238, %mul3A_3 : vector<16xi32>
      %swap3A_240 = arith.constant 64 : index
      %swap3A_241 = tpu.vector_load %arg9[%swap3A_240] {strides = array<i32>} : memref<128xi32, #tpu.memory_space<vmem>>, vector<16xi32>,
      %swap3A_242 = vector.shape_cast %swap3A_241 : vector<16xi32> to vector<16xi32>
      %swap3A_243 = vector.shape_cast %add3A_239 : vector<16xi32> to vector<16xi32>
      tpu.vector_store %arg9[%swap3A_240], %swap3A_243 {strides = array<i32>} : memref<128xi32, #tpu.memory_space<vmem>>, vector<16xi32>,
      %get3A_244 = arith.constant 80 : index
      %get3A_245 = tpu.vector_load %arg9[%get3A_244] {strides = array<i32>} : memref<128xi32, #tpu.memory_space<vmem>>, vector<16xi32>,
      %get3A_246 = vector.shape_cast %get3A_245 : vector<16xi32> to vector<16xi32>
      %add3A_247 = arith.addi %get3A_246, %mul3A_3 : vector<16xi32>
      %swap3A_248 = arith.constant 80 : index
      %swap3A_249 = tpu.vector_load %arg9[%swap3A_248] {strides = array<i32>} : memref<128xi32, #tpu.memory_space<vmem>>, vector<16xi32>,
      %swap3A_250 = vector.shape_cast %swap3A_249 : vector<16xi32> to vector<16xi32>
      %swap3A_251 = vector.shape_cast %add3A_247 : vector<16xi32> to vector<16xi32>
      tpu.vector_store %arg9[%swap3A_248], %swap3A_251 {strides = array<i32>} : memref<128xi32, #tpu.memory_space<vmem>>, vector<16xi32>,
      %get3A_252 = arith.constant 96 : index
      %get3A_253 = tpu.vector_load %arg9[%get3A_252] {strides = array<i32>} : memref<128xi32, #tpu.memory_space<vmem>>, vector<16xi32>,
      %get3A_254 = vector.shape_cast %get3A_253 : vector<16xi32> to vector<16xi32>
      %add3A_255 = arith.addi %get3A_254, %mul3A_3 : vector<16xi32>
      %swap3A_256 = arith.constant 96 : index
      %swap3A_257 = tpu.vector_load %arg9[%swap3A_256] {strides = array<i32>} : memref<128xi32, #tpu.memory_space<vmem>>, vector<16xi32>,
      %swap3A_258 = vector.shape_cast %swap3A_257 : vector<16xi32> to vector<16xi32>
      %swap3A_259 = vector.shape_cast %add3A_255 : vector<16xi32> to vector<16xi32>
      tpu.vector_store %arg9[%swap3A_256], %swap3A_259 {strides = array<i32>} : memref<128xi32, #tpu.memory_space<vmem>>, vector<16xi32>,
      %get3A_260 = arith.constant 112 : index
      %get3A_261 = tpu.vector_load %arg9[%get3A_260] {strides = array<i32>} : memref<128xi32, #tpu.memory_space<vmem>>, vector<16xi32>,
      %get3A_262 = vector.shape_cast %get3A_261 : vector<16xi32> to vector<16xi32>
      %add3A_263 = arith.addi %get3A_262, %mul3A_3 : vector<16xi32>
      %swap3A_264 = arith.constant 112 : index
      %swap3A_265 = tpu.vector_load %arg9[%swap3A_264] {strides = array<i32>} : memref<128xi32, #tpu.memory_space<vmem>>, vector<16xi32>,
      %swap3A_266 = vector.shape_cast %swap3A_265 : vector<16xi32> to vector<16xi32>
      %swap3A_267 = vector.shape_cast %add3A_263 : vector<16xi32> to vector<16xi32>
      tpu.vector_store %arg9[%swap3A_264], %swap3A_267 {strides = array<i32>} : memref<128xi32, #tpu.memory_space<vmem>>, vector<16xi32>,
      %dma_start3A_268 = arith.constant 0 : i32
      %dma_start3A_269 = arith.constant 0 : i32
      %dma_start3A_270 = tpu.memref_slice %arg15[%dma_start3A_268, %dma_start3A_269] : memref<128x128xf32, #tpu.memory_space<vmem>> -> memref<128x128xf32, #tpu.memory_space<vmem>>
      %dma_start3A_271 = arith.constant 0 : i32
      %dma_start3A_272 = tpu.memref_slice %arg9[%dma_start3A_271] : memref<128xi32, #tpu.memory_space<vmem>> -> memref<128xi32, #tpu.memory_space<vmem>>
      %dma_start3A_273 = arith.constant 0 : i32
      %dma_start3A_274 = arith.constant 0 : i32
      %dma_start3A_275 = tpu.memref_slice %arg2[%dma_start3A_273, %dma_start3A_274] : memref<20000x128xf32, #tpu.memory_space<hbm>> -> memref<20000x128xf32, #tpu.memory_space<hbm>>
      tpu.enqueue_indirect_dma source(%dma_start3A_275 : memref<20000x128xf32, #tpu.memory_space<hbm>>) target(%dma_start3A_270 : memref<128x128xf32, #tpu.memory_space<vmem>>) offsets(%dma_start3A_272 : memref<128xi32, #tpu.memory_space<vmem>>) semaphore(%arg19 : memref<!tpu.dma_semaphore, #tpu.memory_space<semaphore_mem>>)
      %dma_wait3A_276 = arith.constant 0 : i32
      %dma_wait3A_277 = arith.constant 0 : i32
      %dma_wait3A_278 = tpu.memref_slice %arg13[%dma_wait3A_276, %dma_wait3A_277] : memref<128x128xf32, #tpu.memory_space<vmem>> -> memref<128x128xf32, #tpu.memory_space<vmem>>
      %dma_wait3A_279 = arith.constant 0 : i32
      %dma_wait3A_280 = tpu.memref_slice %arg7[%dma_wait3A_279] : memref<128xi32, #tpu.memory_space<vmem>> -> memref<128xi32, #tpu.memory_space<vmem>>
      %dma_wait3A_281 = arith.constant 0 : i32
      %dma_wait3A_282 = arith.constant 0 : i32
      %dma_wait3A_283 = tpu.memref_slice %arg2[%dma_wait3A_281, %dma_wait3A_282] : memref<20000x128xf32, #tpu.memory_space<hbm>> -> memref<20000x128xf32, #tpu.memory_space<hbm>>
      tpu.wait_indirect_dma semaphore(%arg17 : memref<!tpu.dma_semaphore, #tpu.memory_space<semaphore_mem>>) src(%dma_wait3A_283 : memref<20000x128xf32, #tpu.memory_space<hbm>>) dst(%dma_wait3A_278 : memref<128x128xf32, #tpu.memory_space<vmem>>)
      "tpu.region"() ({
        %run_scoped3A = tpu.sem_alloc : memref<!tpu.dma_semaphore, #tpu.memory_space<semaphore_mem>>
        %dma_start3A_300 = arith.constant 0 : i32
        %dma_start3A_301 = arith.constant 0 : i32
        %dma_start3A_302 = tpu.memref_slice %arg13[%dma_start3A_300, %dma_start3A_301] : memref<128x128xf32, #tpu.memory_space<vmem>> -> memref<128x128xf32, #tpu.memory_space<vmem>>
        %dma_start3A_303 = arith.constant 0 : i32
        %dma_start3A_304 = tpu.memref_slice %arg10[%dma_start3A_303] : memref<128xi32, #tpu.memory_space<vmem>> -> memref<128xi32, #tpu.memory_space<vmem>>
        %dma_start3A_305 = arith.constant 0 : i32
        %dma_start3A_306 = arith.constant 0 : i32
        %dma_start3A_307 = tpu.memref_slice %arg16[%dma_start3A_305, %dma_start3A_306] : memref<10112x128xf32, #tpu.memory_space<vmem_shared>> -> memref<10112x128xf32, #tpu.memory_space<vmem_shared>>
        tpu.enqueue_indirect_dma source(%dma_start3A_302 : memref<128x128xf32, #tpu.memory_space<vmem>>) target(%dma_start3A_307 : memref<10112x128xf32, #tpu.memory_space<vmem_shared>>) offsets(%dma_start3A_304 : memref<128xi32, #tpu.memory_space<vmem>>) semaphore(%run_scoped3A : memref<!tpu.dma_semaphore, #tpu.memory_space<semaphore_mem>>) {add = true}
        %dma_wait3A_308 = arith.constant 0 : i32
        %dma_wait3A_309 = arith.constant 0 : i32
        %dma_wait3A_310 = tpu.memref_slice %arg13[%dma_wait3A_308, %dma_wait3A_309] : memref<128x128xf32, #tpu.memory_space<vmem>> -> memref<128x128xf32, #tpu.memory_space<vmem>>
        %dma_wait3A_311 = arith.constant 0 : i32
        %dma_wait3A_312 = tpu.memref_slice %arg10[%dma_wait3A_311] : memref<128xi32, #tpu.memory_space<vmem>> -> memref<128xi32, #tpu.memory_space<vmem>>
        %dma_wait3A_313 = arith.constant 0 : i32
        %dma_wait3A_314 = arith.constant 0 : i32
        %dma_wait3A_315 = tpu.memref_slice %arg16[%dma_wait3A_313, %dma_wait3A_314] : memref<10112x128xf32, #tpu.memory_space<vmem_shared>> -> memref<10112x128xf32, #tpu.memory_space<vmem_shared>>
        tpu.wait_indirect_dma semaphore(%run_scoped3A : memref<!tpu.dma_semaphore, #tpu.memory_space<semaphore_mem>>) src(%dma_wait3A_310 : memref<128x128xf32, #tpu.memory_space<vmem>>) dst(%dma_wait3A_315 : memref<10112x128xf32, #tpu.memory_space<vmem_shared>>)
        tpu.yield
      }) : () -> ()
      %dma_wait3A_284 = arith.constant 0 : i32
      %dma_wait3A_285 = arith.constant 0 : i32
      %dma_wait3A_286 = tpu.memref_slice %arg14[%dma_wait3A_284, %dma_wait3A_285] : memref<128x128xf32, #tpu.memory_space<vmem>> -> memref<128x128xf32, #tpu.memory_space<vmem>>
      %dma_wait3A_287 = arith.constant 0 : i32
      %dma_wait3A_288 = tpu.memref_slice %arg8[%dma_wait3A_287] : memref<128xi32, #tpu.memory_space<vmem>> -> memref<128xi32, #tpu.memory_space<vmem>>
      %dma_wait3A_289 = arith.constant 0 : i32
      %dma_wait3A_290 = arith.constant 0 : i32
      %dma_wait3A_291 = tpu.memref_slice %arg2[%dma_wait3A_289, %dma_wait3A_290] : memref<20000x128xf32, #tpu.memory_space<hbm>> -> memref<20000x128xf32, #tpu.memory_space<hbm>>
      tpu.wait_indirect_dma semaphore(%arg18 : memref<!tpu.dma_semaphore, #tpu.memory_space<semaphore_mem>>) src(%dma_wait3A_291 : memref<20000x128xf32, #tpu.memory_space<hbm>>) dst(%dma_wait3A_286 : memref<128x128xf32, #tpu.memory_space<vmem>>)
      "tpu.region"() ({
        %run_scoped3A = tpu.sem_alloc : memref<!tpu.dma_semaphore, #tpu.memory_space<semaphore_mem>>
        %dma_start3A_300 = arith.constant 0 : i32
        %dma_start3A_301 = arith.constant 0 : i32
        %dma_start3A_302 = tpu.memref_slice %arg14[%dma_start3A_300, %dma_start3A_301] : memref<128x128xf32, #tpu.memory_space<vmem>> -> memref<128x128xf32, #tpu.memory_space<vmem>>
        %dma_start3A_303 = arith.constant 0 : i32
        %dma_start3A_304 = tpu.memref_slice %arg11[%dma_start3A_303] : memref<128xi32, #tpu.memory_space<vmem>> -> memref<128xi32, #tpu.memory_space<vmem>>
        %dma_start3A_305 = arith.constant 0 : i32
        %dma_start3A_306 = arith.constant 0 : i32
        %dma_start3A_307 = tpu.memref_slice %arg16[%dma_start3A_305, %dma_start3A_306] : memref<10112x128xf32, #tpu.memory_space<vmem_shared>> -> memref<10112x128xf32, #tpu.memory_space<vmem_shared>>
        tpu.enqueue_indirect_dma source(%dma_start3A_302 : memref<128x128xf32, #tpu.memory_space<vmem>>) target(%dma_start3A_307 : memref<10112x128xf32, #tpu.memory_space<vmem_shared>>) offsets(%dma_start3A_304 : memref<128xi32, #tpu.memory_space<vmem>>) semaphore(%run_scoped3A : memref<!tpu.dma_semaphore, #tpu.memory_space<semaphore_mem>>) {add = true}
        %dma_wait3A_308 = arith.constant 0 : i32
        %dma_wait3A_309 = arith.constant 0 : i32
        %dma_wait3A_310 = tpu.memref_slice %arg14[%dma_wait3A_308, %dma_wait3A_309] : memref<128x128xf32, #tpu.memory_space<vmem>> -> memref<128x128xf32, #tpu.memory_space<vmem>>
        %dma_wait3A_311 = arith.constant 0 : i32
        %dma_wait3A_312 = tpu.memref_slice %arg11[%dma_wait3A_311] : memref<128xi32, #tpu.memory_space<vmem>> -> memref<128xi32, #tpu.memory_space<vmem>>
        %dma_wait3A_313 = arith.constant 0 : i32
        %dma_wait3A_314 = arith.constant 0 : i32
        %dma_wait3A_315 = tpu.memref_slice %arg16[%dma_wait3A_313, %dma_wait3A_314] : memref<10112x128xf32, #tpu.memory_space<vmem_shared>> -> memref<10112x128xf32, #tpu.memory_space<vmem_shared>>
        tpu.wait_indirect_dma semaphore(%run_scoped3A : memref<!tpu.dma_semaphore, #tpu.memory_space<semaphore_mem>>) src(%dma_wait3A_310 : memref<128x128xf32, #tpu.memory_space<vmem>>) dst(%dma_wait3A_315 : memref<10112x128xf32, #tpu.memory_space<vmem_shared>>)
        tpu.yield
      }) : () -> ()
      %dma_wait3A_292 = arith.constant 0 : i32
      %dma_wait3A_293 = arith.constant 0 : i32
      %dma_wait3A_294 = tpu.memref_slice %arg15[%dma_wait3A_292, %dma_wait3A_293] : memref<128x128xf32, #tpu.memory_space<vmem>> -> memref<128x128xf32, #tpu.memory_space<vmem>>
      %dma_wait3A_295 = arith.constant 0 : i32
      %dma_wait3A_296 = tpu.memref_slice %arg9[%dma_wait3A_295] : memref<128xi32, #tpu.memory_space<vmem>> -> memref<128xi32, #tpu.memory_space<vmem>>
      %dma_wait3A_297 = arith.constant 0 : i32
      %dma_wait3A_298 = arith.constant 0 : i32
      %dma_wait3A_299 = tpu.memref_slice %arg2[%dma_wait3A_297, %dma_wait3A_298] : memref<20000x128xf32, #tpu.memory_space<hbm>> -> memref<20000x128xf32, #tpu.memory_space<hbm>>
      tpu.wait_indirect_dma semaphore(%arg19 : memref<!tpu.dma_semaphore, #tpu.memory_space<semaphore_mem>>) src(%dma_wait3A_299 : memref<20000x128xf32, #tpu.memory_space<hbm>>) dst(%dma_wait3A_294 : memref<128x128xf32, #tpu.memory_space<vmem>>)
      "tpu.region"() ({
        %run_scoped3A = tpu.sem_alloc : memref<!tpu.dma_semaphore, #tpu.memory_space<semaphore_mem>>
        %dma_start3A_300 = arith.constant 0 : i32
        %dma_start3A_301 = arith.constant 0 : i32
        %dma_start3A_302 = tpu.memref_slice %arg15[%dma_start3A_300, %dma_start3A_301] : memref<128x128xf32, #tpu.memory_space<vmem>> -> memref<128x128xf32, #tpu.memory_space<vmem>>
        %dma_start3A_303 = arith.constant 0 : i32
        %dma_start3A_304 = tpu.memref_slice %arg12[%dma_start3A_303] : memref<128xi32, #tpu.memory_space<vmem>> -> memref<128xi32, #tpu.memory_space<vmem>>
        %dma_start3A_305 = arith.constant 0 : i32
        %dma_start3A_306 = arith.constant 0 : i32
        %dma_start3A_307 = tpu.memref_slice %arg16[%dma_start3A_305, %dma_start3A_306] : memref<10112x128xf32, #tpu.memory_space<vmem_shared>> -> memref<10112x128xf32, #tpu.memory_space<vmem_shared>>
        tpu.enqueue_indirect_dma source(%dma_start3A_302 : memref<128x128xf32, #tpu.memory_space<vmem>>) target(%dma_start3A_307 : memref<10112x128xf32, #tpu.memory_space<vmem_shared>>) offsets(%dma_start3A_304 : memref<128xi32, #tpu.memory_space<vmem>>) semaphore(%run_scoped3A : memref<!tpu.dma_semaphore, #tpu.memory_space<semaphore_mem>>) {add = true}
        %dma_wait3A_308 = arith.constant 0 : i32
        %dma_wait3A_309 = arith.constant 0 : i32
        %dma_wait3A_310 = tpu.memref_slice %arg15[%dma_wait3A_308, %dma_wait3A_309] : memref<128x128xf32, #tpu.memory_space<vmem>> -> memref<128x128xf32, #tpu.memory_space<vmem>>
        %dma_wait3A_311 = arith.constant 0 : i32
        %dma_wait3A_312 = tpu.memref_slice %arg12[%dma_wait3A_311] : memref<128xi32, #tpu.memory_space<vmem>> -> memref<128xi32, #tpu.memory_space<vmem>>
        %dma_wait3A_313 = arith.constant 0 : i32
        %dma_wait3A_314 = arith.constant 0 : i32
        %dma_wait3A_315 = tpu.memref_slice %arg16[%dma_wait3A_313, %dma_wait3A_314] : memref<10112x128xf32, #tpu.memory_space<vmem_shared>> -> memref<10112x128xf32, #tpu.memory_space<vmem_shared>>
        tpu.wait_indirect_dma semaphore(%run_scoped3A : memref<!tpu.dma_semaphore, #tpu.memory_space<semaphore_mem>>) src(%dma_wait3A_310 : memref<128x128xf32, #tpu.memory_space<vmem>>) dst(%dma_wait3A_315 : memref<10112x128xf32, #tpu.memory_space<vmem_shared>>)
        tpu.yield
      }) : () -> ()
    }
    %scan3A_11 = arith.constant 52 : i32
    %add3A = arith.constant 19968 : i32
    %add3A_12 = arith.addi %mul3A_7, %add3A : i32
    "tpu.region"() ({
      %run_scoped3A = tpu.sem_alloc : memref<!tpu.dma_semaphore, #tpu.memory_space<semaphore_mem>>
      %dma_start3A_46 = arith.constant 0 : i32
      %dma_start3A_47 = tpu.memref_slice %arg7[%dma_start3A_46] : memref<128xi32, #tpu.memory_space<vmem>> -> memref<32xi32, #tpu.memory_space<vmem>>
      %dma_start3A_48 = tpu.memref_slice %arg4[%add3A_12] : memref<320000xi32, #tpu.memory_space<hbm>> -> memref<32xi32, #tpu.memory_space<hbm>>
      %dma_start3A_49 = arith.constant 0 : i32
      %dma_start3A_50 = tpu.memref_slice %arg7[%dma_start3A_49] : memref<128xi32, #tpu.memory_space<vmem>> -> memref<32xi32, #tpu.memory_space<vmem>>
      %dma_start3A_51 = tpu.memref_slice %arg4[%add3A_12] : memref<320000xi32, #tpu.memory_space<hbm>> -> memref<32xi32, #tpu.memory_space<hbm>>
      tpu.enqueue_dma source(%dma_start3A_51 : memref<32xi32, #tpu.memory_space<hbm>>) target(%dma_start3A_50 : memref<32xi32, #tpu.memory_space<vmem>>) target_semaphore(%run_scoped3A : memref<!tpu.dma_semaphore, #tpu.memory_space<semaphore_mem>>)
      %dma_wait3A_52 = arith.constant 0 : i32
      %dma_wait3A_53 = tpu.memref_slice %arg7[%dma_wait3A_52] : memref<128xi32, #tpu.memory_space<vmem>> -> memref<32xi32, #tpu.memory_space<vmem>>
      %dma_wait3A_54 = tpu.memref_slice %arg4[%add3A_12] : memref<320000xi32, #tpu.memory_space<hbm>> -> memref<32xi32, #tpu.memory_space<hbm>>
      %dma_wait3A_55 = arith.constant 0 : i32
      %dma_wait3A_56 = tpu.memref_slice %arg7[%dma_wait3A_55] : memref<128xi32, #tpu.memory_space<vmem>> -> memref<32xi32, #tpu.memory_space<vmem>>
      %dma_wait3A_57 = tpu.memref_slice %arg4[%add3A_12] : memref<320000xi32, #tpu.memory_space<hbm>> -> memref<32xi32, #tpu.memory_space<hbm>>
      tpu.wait_dma2 semaphore(%run_scoped3A : memref<!tpu.dma_semaphore, #tpu.memory_space<semaphore_mem>>) src(%dma_wait3A_57 : memref<32xi32, #tpu.memory_space<hbm>>) dst(%dma_wait3A_56 : memref<32xi32, #tpu.memory_space<vmem>>)
      tpu.yield
    }) : () -> ()
    "tpu.region"() ({
      %run_scoped3A = tpu.sem_alloc : memref<!tpu.dma_semaphore, #tpu.memory_space<semaphore_mem>>
      %dma_start3A_46 = arith.constant 0 : i32
      %dma_start3A_47 = tpu.memref_slice %arg10[%dma_start3A_46] : memref<128xi32, #tpu.memory_space<vmem>> -> memref<32xi32, #tpu.memory_space<vmem>>
      %dma_start3A_48 = tpu.memref_slice %arg3[%add3A_12] : memref<320000xi32, #tpu.memory_space<hbm>> -> memref<32xi32, #tpu.memory_space<hbm>>
      %dma_start3A_49 = arith.constant 0 : i32
      %dma_start3A_50 = tpu.memref_slice %arg10[%dma_start3A_49] : memref<128xi32, #tpu.memory_space<vmem>> -> memref<32xi32, #tpu.memory_space<vmem>>
      %dma_start3A_51 = tpu.memref_slice %arg3[%add3A_12] : memref<320000xi32, #tpu.memory_space<hbm>> -> memref<32xi32, #tpu.memory_space<hbm>>
      tpu.enqueue_dma source(%dma_start3A_51 : memref<32xi32, #tpu.memory_space<hbm>>) target(%dma_start3A_50 : memref<32xi32, #tpu.memory_space<vmem>>) target_semaphore(%run_scoped3A : memref<!tpu.dma_semaphore, #tpu.memory_space<semaphore_mem>>)
      %dma_wait3A_52 = arith.constant 0 : i32
      %dma_wait3A_53 = tpu.memref_slice %arg10[%dma_wait3A_52] : memref<128xi32, #tpu.memory_space<vmem>> -> memref<32xi32, #tpu.memory_space<vmem>>
      %dma_wait3A_54 = tpu.memref_slice %arg3[%add3A_12] : memref<320000xi32, #tpu.memory_space<hbm>> -> memref<32xi32, #tpu.memory_space<hbm>>
      %dma_wait3A_55 = arith.constant 0 : i32
      %dma_wait3A_56 = tpu.memref_slice %arg10[%dma_wait3A_55] : memref<128xi32, #tpu.memory_space<vmem>> -> memref<32xi32, #tpu.memory_space<vmem>>
      %dma_wait3A_57 = tpu.memref_slice %arg3[%add3A_12] : memref<320000xi32, #tpu.memory_space<hbm>> -> memref<32xi32, #tpu.memory_space<hbm>>
      tpu.wait_dma2 semaphore(%run_scoped3A : memref<!tpu.dma_semaphore, #tpu.memory_space<semaphore_mem>>) src(%dma_wait3A_57 : memref<32xi32, #tpu.memory_space<hbm>>) dst(%dma_wait3A_56 : memref<32xi32, #tpu.memory_space<vmem>>)
      tpu.yield
    }) : () -> ()
    %get3A = arith.constant 0 : index
    %get3A_13 = tpu.vector_load %arg7[%get3A] {strides = array<i32>} : memref<128xi32, #tpu.memory_space<vmem>>, vector<16xi32>,
    %get3A_14 = vector.shape_cast %get3A_13 : vector<16xi32> to vector<16xi32>
    %add3A_15 = arith.addi %get3A_14, %mul3A_3 : vector<16xi32>
    %swap3A = arith.constant 0 : index
    %swap3A_16 = tpu.vector_load %arg7[%swap3A] {strides = array<i32>} : memref<128xi32, #tpu.memory_space<vmem>>, vector<16xi32>,
    %swap3A_17 = vector.shape_cast %swap3A_16 : vector<16xi32> to vector<16xi32>
    %swap3A_18 = vector.shape_cast %add3A_15 : vector<16xi32> to vector<16xi32>
    tpu.vector_store %arg7[%swap3A], %swap3A_18 {strides = array<i32>} : memref<128xi32, #tpu.memory_space<vmem>>, vector<16xi32>,
    %get3A_19 = arith.constant 16 : index
    %get3A_20 = tpu.vector_load %arg7[%get3A_19] {strides = array<i32>} : memref<128xi32, #tpu.memory_space<vmem>>, vector<16xi32>,
    %get3A_21 = vector.shape_cast %get3A_20 : vector<16xi32> to vector<16xi32>
    %add3A_22 = arith.addi %get3A_21, %mul3A_3 : vector<16xi32>
    %swap3A_23 = arith.constant 16 : index
    %swap3A_24 = tpu.vector_load %arg7[%swap3A_23] {strides = array<i32>} : memref<128xi32, #tpu.memory_space<vmem>>, vector<16xi32>,
    %swap3A_25 = vector.shape_cast %swap3A_24 : vector<16xi32> to vector<16xi32>
    %swap3A_26 = vector.shape_cast %add3A_22 : vector<16xi32> to vector<16xi32>
    tpu.vector_store %arg7[%swap3A_23], %swap3A_26 {strides = array<i32>} : memref<128xi32, #tpu.memory_space<vmem>>, vector<16xi32>,
    %dma_start3A = arith.constant 0 : i32
    %dma_start3A_27 = arith.constant 0 : i32
    %dma_start3A_28 = tpu.memref_slice %arg13[%dma_start3A, %dma_start3A_27] : memref<128x128xf32, #tpu.memory_space<vmem>> -> memref<32x128xf32, #tpu.memory_space<vmem>>
    %dma_start3A_29 = arith.constant 0 : i32
    %dma_start3A_30 = tpu.memref_slice %arg7[%dma_start3A_29] : memref<128xi32, #tpu.memory_space<vmem>> -> memref<32xi32, #tpu.memory_space<vmem>>
    %dma_start3A_31 = arith.constant 0 : i32
    %dma_start3A_32 = arith.constant 0 : i32
    %dma_start3A_33 = tpu.memref_slice %arg2[%dma_start3A_31, %dma_start3A_32] : memref<20000x128xf32, #tpu.memory_space<hbm>> -> memref<20000x128xf32, #tpu.memory_space<hbm>>
    tpu.enqueue_indirect_dma source(%dma_start3A_33 : memref<20000x128xf32, #tpu.memory_space<hbm>>) target(%dma_start3A_28 : memref<32x128xf32, #tpu.memory_space<vmem>>) offsets(%dma_start3A_30 : memref<32xi32, #tpu.memory_space<vmem>>) semaphore(%arg17 : memref<!tpu.dma_semaphore, #tpu.memory_space<semaphore_mem>>)
    %dma_wait3A = arith.constant 0 : i32
    %dma_wait3A_34 = arith.constant 0 : i32
    %dma_wait3A_35 = tpu.memref_slice %arg13[%dma_wait3A, %dma_wait3A_34] : memref<128x128xf32, #tpu.memory_space<vmem>> -> memref<32x128xf32, #tpu.memory_space<vmem>>
    %dma_wait3A_36 = arith.constant 0 : i32
    %dma_wait3A_37 = tpu.memref_slice %arg7[%dma_wait3A_36] : memref<128xi32, #tpu.memory_space<vmem>> -> memref<32xi32, #tpu.memory_space<vmem>>
    %dma_wait3A_38 = arith.constant 0 : i32
    %dma_wait3A_39 = arith.constant 0 : i32
    %dma_wait3A_40 = tpu.memref_slice %arg2[%dma_wait3A_38, %dma_wait3A_39] : memref<20000x128xf32, #tpu.memory_space<hbm>> -> memref<20000x128xf32, #tpu.memory_space<hbm>>
    tpu.wait_indirect_dma semaphore(%arg17 : memref<!tpu.dma_semaphore, #tpu.memory_space<semaphore_mem>>) src(%dma_wait3A_40 : memref<20000x128xf32, #tpu.memory_space<hbm>>) dst(%dma_wait3A_35 : memref<32x128xf32, #tpu.memory_space<vmem>>)
    "tpu.region"() ({
      %run_scoped3A = tpu.sem_alloc : memref<!tpu.dma_semaphore, #tpu.memory_space<semaphore_mem>>
      %dma_start3A_46 = arith.constant 0 : i32
      %dma_start3A_47 = arith.constant 0 : i32
      %dma_start3A_48 = tpu.memref_slice %arg13[%dma_start3A_46, %dma_start3A_47] : memref<128x128xf32, #tpu.memory_space<vmem>> -> memref<32x128xf32, #tpu.memory_space<vmem>>
      %dma_start3A_49 = arith.constant 0 : i32
      %dma_start3A_50 = tpu.memref_slice %arg10[%dma_start3A_49] : memref<128xi32, #tpu.memory_space<vmem>> -> memref<32xi32, #tpu.memory_space<vmem>>
      %dma_start3A_51 = arith.constant 0 : i32
      %dma_start3A_52 = arith.constant 0 : i32
      %dma_start3A_53 = tpu.memref_slice %arg16[%dma_start3A_51, %dma_start3A_52] : memref<10112x128xf32, #tpu.memory_space<vmem_shared>> -> memref<10112x128xf32, #tpu.memory_space<vmem_shared>>
      tpu.enqueue_indirect_dma source(%dma_start3A_48 : memref<32x128xf32, #tpu.memory_space<vmem>>) target(%dma_start3A_53 : memref<10112x128xf32, #tpu.memory_space<vmem_shared>>) offsets(%dma_start3A_50 : memref<32xi32, #tpu.memory_space<vmem>>) semaphore(%run_scoped3A : memref<!tpu.dma_semaphore, #tpu.memory_space<semaphore_mem>>) {add = true}
      %dma_wait3A_54 = arith.constant 0 : i32
      %dma_wait3A_55 = arith.constant 0 : i32
      %dma_wait3A_56 = tpu.memref_slice %arg13[%dma_wait3A_54, %dma_wait3A_55] : memref<128x128xf32, #tpu.memory_space<vmem>> -> memref<32x128xf32, #tpu.memory_space<vmem>>
      %dma_wait3A_57 = arith.constant 0 : i32
      %dma_wait3A_58 = tpu.memref_slice %arg10[%dma_wait3A_57] : memref<128xi32, #tpu.memory_space<vmem>> -> memref<32xi32, #tpu.memory_space<vmem>>
      %dma_wait3A_59 = arith.constant 0 : i32
      %dma_wait3A_60 = arith.constant 0 : i32
      %dma_wait3A_61 = tpu.memref_slice %arg16[%dma_wait3A_59, %dma_wait3A_60] : memref<10112x128xf32, #tpu.memory_space<vmem_shared>> -> memref<10112x128xf32, #tpu.memory_space<vmem_shared>>
      tpu.wait_indirect_dma semaphore(%run_scoped3A : memref<!tpu.dma_semaphore, #tpu.memory_space<semaphore_mem>>) src(%dma_wait3A_56 : memref<32x128xf32, #tpu.memory_space<vmem>>) dst(%dma_wait3A_61 : memref<10112x128xf32, #tpu.memory_space<vmem_shared>>)
      tpu.yield
    }) : () -> ()
    %barrier3A_41 = arith.constant 0 : index
    tpu.barrier barrier_id(%barrier3A_41)
    %mul3A_42 = arith.constant 632 : i32
    %mul3A_43 = arith.muli %arg1, %mul3A_42 : i32
    %mul3A_44 = arith.constant 632 : i32
    %mul3A_45 = arith.muli %arg1, %mul3A_44 : i32
    "tpu.region"() ({
      %run_scoped3A = tpu.sem_alloc : memref<!tpu.dma_semaphore, #tpu.memory_space<semaphore_mem>>
      %dma_start3A_46 = arith.constant 0 : i32
      %dma_start3A_47 = tpu.memref_slice %arg6[%arg0, %mul3A_45, %dma_start3A_46] : memref<2x10112x128xf32, #tpu.memory_space<hbm>> -> memref<1x632x128xf32, #tpu.memory_space<hbm>>
      %dma_start3A_48 = tpu.memref_squeeze %dma_start3A_47 : memref<1x632x128xf32, #tpu.memory_space<hbm>> -> memref<632x128xf32, #tpu.memory_space<hbm>>
      %dma_start3A_49 = arith.constant 0 : i32
      %dma_start3A_50 = tpu.memref_slice %arg16[%mul3A_43, %dma_start3A_49] : memref<10112x128xf32, #tpu.memory_space<vmem_shared>> -> memref<632x128xf32, #tpu.memory_space<vmem_shared>>
      tpu.enqueue_dma source(%dma_start3A_50 : memref<632x128xf32, #tpu.memory_space<vmem_shared>>) target(%dma_start3A_48 : memref<632x128xf32, #tpu.memory_space<hbm>>) target_semaphore(%run_scoped3A : memref<!tpu.dma_semaphore, #tpu.memory_space<semaphore_mem>>)
      %dma_wait3A_51 = arith.constant 0 : i32
      %dma_wait3A_52 = tpu.memref_slice %arg6[%arg0, %mul3A_45, %dma_wait3A_51] : memref<2x10112x128xf32, #tpu.memory_space<hbm>> -> memref<1x632x128xf32, #tpu.memory_space<hbm>>
      %dma_wait3A_53 = tpu.memref_squeeze %dma_wait3A_52 : memref<1x632x128xf32, #tpu.memory_space<hbm>> -> memref<632x128xf32, #tpu.memory_space<hbm>>
      %dma_wait3A_54 = arith.constant 0 : i32
      %dma_wait3A_55 = tpu.memref_slice %arg16[%mul3A_43, %dma_wait3A_54] : memref<10112x128xf32, #tpu.memory_space<vmem_shared>> -> memref<632x128xf32, #tpu.memory_space<vmem_shared>>
      tpu.wait_dma2 semaphore(%run_scoped3A : memref<!tpu.dma_semaphore, #tpu.memory_space<semaphore_mem>>) src(%dma_wait3A_55 : memref<632x128xf32, #tpu.memory_space<vmem_shared>>) dst(%dma_wait3A_53 : memref<632x128xf32, #tpu.memory_space<hbm>>)
      tpu.yield
    }) : () -> ()
    return
  }
}

module attributes {stable_mosaic.version = 14 : i64} {
  func.func @_encoder_body(%arg0: i32, %arg1: memref<1000x128xf32, #tpu.memory_space<vmem>>, %arg2: memref<128x256xf32, #tpu.memory_space<vmem>>, %arg3: memref<1x256xf32, #tpu.memory_space<vmem>>, %arg4: memref<2x1000x128xf32, #tpu.memory_space<vmem>>) attributes {dimension_semantics = [#tpu.dimension_semantics<arbitrary>], iteration_bounds = array<i64: 10>, scalar_prefetch = 0 : i64, scratch_operands = 0 : i64, tpu.core_type = #tpu.core_type<tc>, window_params = [{transform_indices = @transform_0, window_bounds = array<i64: 1000, 128>}, {pipeline_mode = #tpu.pipeline_mode<synchronous>, transform_indices = @transform_1, window_bounds = array<i64: 128, 256>}, {pipeline_mode = #tpu.pipeline_mode<synchronous>, transform_indices = @transform_2, window_bounds = array<i64: 1, 256>}, {transform_indices = @transform_3, window_bounds = array<i64: 2, 1000, 128>}]} {
    %get3A = arith.constant 0 : index
    %get3A_0 = arith.constant 0 : index
    %get3A_1 = vector.load %arg1[%get3A, %get3A_0] : memref<1000x128xf32, #tpu.memory_space<vmem>>, vector<1000x128xf32>
    %mul3A = arith.mulf %get3A_1, %get3A_1 : vector<1000x128xf32>
    %reduce_sum3A = arith.constant dense<0.000000e+00> : vector<1000xf32>
    %reduce_sum3A_2 = vector.multi_reduction <add>, %mul3A, %reduce_sum3A [1] : vector<1000x128xf32> to vector<1000xf32>
    %broadcast_in_dim3A = vector.shape_cast %reduce_sum3A_2 : vector<1000xf32> to vector<1000x1xf32>
    %jit3A = arith.constant 1.000000e-15 : f32
    %max3A = vector.broadcast %jit3A : f32 to vector<1000x1xf32>
    %max3A_3 = arith.maximumf %max3A, %broadcast_in_dim3A : vector<1000x1xf32>
    %sqrt3A = math.sqrt %max3A_3 : vector<1000x1xf32>
    %mul3A_4 = arith.mulf %sqrt3A, %sqrt3A : vector<1000x1xf32>
    %exp3A = math.exp %sqrt3A : vector<1000x1xf32>
    %lt3A = arith.constant 9.99999974E-5 : f32
    %lt3A_5 = vector.broadcast %lt3A : f32 to vector<1000x1xf32>
    %lt3A_6 = arith.cmpf olt, %sqrt3A, %lt3A_5 : vector<1000x1xf32>
    %div3A = arith.constant 6.000000e+00 : f32
    %div3A_7 = vector.broadcast %div3A : f32 to vector<1000x1xf32>
    %div3A_8 = arith.divf %mul3A_4, %div3A_7 : vector<1000x1xf32>
    %add3A = arith.constant 1.000000e+00 : f32
    %add3A_9 = vector.broadcast %add3A : f32 to vector<1000x1xf32>
    %add3A_10 = arith.addf %add3A_9, %div3A_8 : vector<1000x1xf32>
    %div3A_11 = arith.constant 1.000000e+00 : f32
    %div3A_12 = vector.broadcast %div3A_11 : f32 to vector<1000x1xf32>
    %div3A_13 = arith.divf %div3A_12, %exp3A : vector<1000x1xf32>
    %sub3A = arith.subf %exp3A, %div3A_13 : vector<1000x1xf32>
    %mul3A_14 = arith.constant 2.000000e+00 : f32
    %mul3A_15 = vector.broadcast %mul3A_14 : f32 to vector<1000x1xf32>
    %mul3A_16 = arith.mulf %mul3A_15, %sqrt3A : vector<1000x1xf32>
    %div3A_17 = arith.divf %sub3A, %mul3A_16 : vector<1000x1xf32>
    %select_n3A = arith.select %lt3A_6, %add3A_10, %div3A_17 : vector<1000x1xi1>, vector<1000x1xf32>
    %mul3A_18 = arith.mulf %select_n3A, %select_n3A : vector<1000x1xf32>
    %mul3A_19 = arith.mulf %mul3A_18, %broadcast_in_dim3A : vector<1000x1xf32>
    %add3A_20 = arith.constant 1.000000e+00 : f32
    %add3A_21 = vector.broadcast %add3A_20 : f32 to vector<1000x1xf32>
    %add3A_22 = arith.addf %add3A_21, %mul3A_19 : vector<1000x1xf32>
    %jit3A_23 = arith.constant 4.000000e-03 : f32
    %max3A_24 = vector.broadcast %jit3A_23 : f32 to vector<1000x1xf32>
    %max3A_25 = arith.maximumf %max3A_24, %add3A_22 : vector<1000x1xf32>
    %sqrt3A_26 = math.sqrt %max3A_25 : vector<1000x1xf32>
    %mul3A_27 = arith.mulf %select_n3A, %select_n3A : vector<1000x1xf32>
    %mul3A_28 = arith.mulf %mul3A_27, %broadcast_in_dim3A : vector<1000x1xf32>
    %jit3A_29 = arith.constant 1.000000e-15 : f32
    %max3A_30 = vector.broadcast %jit3A_29 : f32 to vector<1000x1xf32>
    %max3A_31 = arith.maximumf %max3A_30, %mul3A_28 : vector<1000x1xf32>
    %sqrt3A_32 = math.sqrt %max3A_31 : vector<1000x1xf32>
    %jit3A_33 = arith.constant 1.004000e+00 : f32
    %max3A_34 = vector.broadcast %jit3A_33 : f32 to vector<1000x1xf32>
    %max3A_35 = arith.maximumf %max3A_34, %sqrt3A_26 : vector<1000x1xf32>
    %sub3A_36 = arith.constant 1.000000e+00 : f32
    %sub3A_37 = vector.broadcast %sub3A_36 : f32 to vector<1000x1xf32>
    %sub3A_38 = arith.subf %max3A_35, %sub3A_37 : vector<1000x1xf32>
    %add3A_39 = arith.constant 1.000000e+00 : f32
    %add3A_40 = vector.broadcast %add3A_39 : f32 to vector<1000x1xf32>
    %add3A_41 = arith.addf %max3A_35, %add3A_40 : vector<1000x1xf32>
    %mul3A_42 = arith.mulf %sub3A_38, %add3A_41 : vector<1000x1xf32>
    %sqrt3A_43 = math.sqrt %mul3A_42 : vector<1000x1xf32>
    %add3A_44 = arith.addf %max3A_35, %sqrt3A_43 : vector<1000x1xf32>
    %log3A = math.log %add3A_44 : vector<1000x1xf32>
    %mul3A_45 = arith.mulf %log3A, %select_n3A : vector<1000x1xf32>
    %div3A_46 = arith.divf %mul3A_45, %sqrt3A_32 : vector<1000x1xf32>
    %mul3A_47 = vector.broadcast %div3A_46 : vector<1000x1xf32> to vector<1000x128xf32>
    %mul3A_48 = arith.mulf %mul3A_47, %get3A_1 : vector<1000x128xf32>
    %get3A_49 = arith.constant 0 : index
    %get3A_50 = arith.constant 0 : index
    %get3A_51 = vector.load %arg2[%get3A_49, %get3A_50] : memref<128x256xf32, #tpu.memory_space<vmem>>, vector<128x256xf32>
    %dot_general3A = arith.constant dense<0.000000e+00> : vector<1000x256xf32>
    %dot_general3A_52 = tpu.matmul %mul3A_48, %get3A_51, %dot_general3A {dimension_numbers = #tpu.dot_dimension_numbers<[1], [0], [0], [1], [0, 0, 1, 1], [], []>, transpose_lhs_hint = false} : vector<1000x128xf32>, vector<128x256xf32>, vector<1000x256xf32> -> vector<1000x256xf32>
    %iota3A = tpu.iota {dimensions = array<i32: 1>} : vector<1x256xi32>
    %eq3A = arith.constant 0 : i32
    %eq3A_53 = vector.broadcast %eq3A : i32 to vector<1x256xi32>
    %eq3A_54 = arith.cmpi eq, %iota3A, %eq3A_53 : vector<1x256xi32>
    %jit3A_55 = arith.constant 0.000000e+00 : f32
    %broadcast_in_dim3A_56 = vector.shape_cast %eq3A_54 : vector<1x256xi1> to vector<1x256xi1>
    %broadcast_in_dim3A_57 = vector.broadcast %broadcast_in_dim3A_56 : vector<1x256xi1> to vector<1000x256xi1>
    %broadcast_in_dim3A_58 = vector.broadcast %jit3A_55 : f32 to vector<1000x256xf32>
    %select_n3A_59 = arith.select %broadcast_in_dim3A_57, %broadcast_in_dim3A_58, %dot_general3A_52 : vector<1000x256xi1>, vector<1000x256xf32>
    %mul3A_60 = arith.mulf %select_n3A_59, %select_n3A_59 : vector<1000x256xf32>
    %reduce_sum3A_61 = arith.constant dense<0.000000e+00> : vector<1000xf32>
    %reduce_sum3A_62 = vector.multi_reduction <add>, %mul3A_60, %reduce_sum3A_61 [1] : vector<1000x256xf32> to vector<1000xf32>
    %broadcast_in_dim3A_63 = vector.shape_cast %reduce_sum3A_62 : vector<1000xf32> to vector<1000x1xf32>
    %jit3A_64 = arith.constant 1.000000e-15 : f32
    %max3A_65 = vector.broadcast %jit3A_64 : f32 to vector<1000x1xf32>
    %max3A_66 = arith.maximumf %max3A_65, %broadcast_in_dim3A_63 : vector<1000x1xf32>
    %sqrt3A_67 = math.sqrt %max3A_66 : vector<1000x1xf32>
    %mul3A_68 = arith.mulf %sqrt3A_67, %sqrt3A_67 : vector<1000x1xf32>
    %exp3A_69 = math.exp %sqrt3A_67 : vector<1000x1xf32>
    %lt3A_70 = arith.constant 9.99999974E-5 : f32
    %lt3A_71 = vector.broadcast %lt3A_70 : f32 to vector<1000x1xf32>
    %lt3A_72 = arith.cmpf olt, %sqrt3A_67, %lt3A_71 : vector<1000x1xf32>
    %div3A_73 = arith.constant 6.000000e+00 : f32
    %div3A_74 = vector.broadcast %div3A_73 : f32 to vector<1000x1xf32>
    %div3A_75 = arith.divf %mul3A_68, %div3A_74 : vector<1000x1xf32>
    %add3A_76 = arith.constant 1.000000e+00 : f32
    %add3A_77 = vector.broadcast %add3A_76 : f32 to vector<1000x1xf32>
    %add3A_78 = arith.addf %add3A_77, %div3A_75 : vector<1000x1xf32>
    %div3A_79 = arith.constant 1.000000e+00 : f32
    %div3A_80 = vector.broadcast %div3A_79 : f32 to vector<1000x1xf32>
    %div3A_81 = arith.divf %div3A_80, %exp3A_69 : vector<1000x1xf32>
    %sub3A_82 = arith.subf %exp3A_69, %div3A_81 : vector<1000x1xf32>
    %mul3A_83 = arith.constant 2.000000e+00 : f32
    %mul3A_84 = vector.broadcast %mul3A_83 : f32 to vector<1000x1xf32>
    %mul3A_85 = arith.mulf %mul3A_84, %sqrt3A_67 : vector<1000x1xf32>
    %div3A_86 = arith.divf %sub3A_82, %mul3A_85 : vector<1000x1xf32>
    %select_n3A_87 = arith.select %lt3A_72, %add3A_78, %div3A_86 : vector<1000x1xi1>, vector<1000x1xf32>
    %mul3A_88 = vector.broadcast %select_n3A_87 : vector<1000x1xf32> to vector<1000x256xf32>
    %mul3A_89 = arith.mulf %mul3A_88, %select_n3A_59 : vector<1000x256xf32>
    %mul3A_90 = arith.mulf %select_n3A_87, %select_n3A_87 : vector<1000x1xf32>
    %mul3A_91 = arith.mulf %mul3A_90, %broadcast_in_dim3A_63 : vector<1000x1xf32>
    %add3A_92 = arith.constant 1.000000e+00 : f32
    %add3A_93 = vector.broadcast %add3A_92 : f32 to vector<1000x1xf32>
    %add3A_94 = arith.addf %add3A_93, %mul3A_91 : vector<1000x1xf32>
    %jit3A_95 = arith.constant 4.000000e-03 : f32
    %max3A_96 = vector.broadcast %jit3A_95 : f32 to vector<1000x1xf32>
    %max3A_97 = arith.maximumf %max3A_96, %add3A_94 : vector<1000x1xf32>
    %sqrt3A_98 = math.sqrt %max3A_97 : vector<1000x1xf32>
    %get3A_99 = arith.constant 0 : index
    %get3A_100 = arith.constant 0 : index
    %get3A_101 = vector.load %arg3[%get3A_99, %get3A_100] : memref<1x256xf32, #tpu.memory_space<vmem>>, vector<1x256xf32>
    %jit3A_102 = arith.constant 0.000000e+00 : f32
    %broadcast_in_dim3A_103 = vector.broadcast %jit3A_102 : f32 to vector<1x256xf32>
    %select_n3A_104 = arith.select %eq3A_54, %broadcast_in_dim3A_103, %get3A_101 : vector<1x256xi1>, vector<1x256xf32>
    %mul3A_105 = arith.mulf %select_n3A_104, %select_n3A_104 : vector<1x256xf32>
    %reduce_sum3A_106 = arith.constant dense<0.000000e+00> : vector<1xf32>
    %reduce_sum3A_107 = vector.multi_reduction <add>, %mul3A_105, %reduce_sum3A_106 [1] : vector<1x256xf32> to vector<1xf32>
    %broadcast_in_dim3A_108 = vector.shape_cast %reduce_sum3A_107 : vector<1xf32> to vector<1x1xf32>
    %jit3A_109 = arith.constant 1.000000e-15 : f32
    %max3A_110 = vector.broadcast %jit3A_109 : f32 to vector<1x1xf32>
    %max3A_111 = arith.maximumf %max3A_110, %broadcast_in_dim3A_108 : vector<1x1xf32>
    %sqrt3A_112 = math.sqrt %max3A_111 : vector<1x1xf32>
    %mul3A_113 = arith.mulf %sqrt3A_112, %sqrt3A_112 : vector<1x1xf32>
    %exp3A_114 = math.exp %sqrt3A_112 : vector<1x1xf32>
    %lt3A_115 = arith.constant 9.99999974E-5 : f32
    %lt3A_116 = vector.broadcast %lt3A_115 : f32 to vector<1x1xf32>
    %lt3A_117 = arith.cmpf olt, %sqrt3A_112, %lt3A_116 : vector<1x1xf32>
    %div3A_118 = arith.constant 6.000000e+00 : f32
    %div3A_119 = vector.broadcast %div3A_118 : f32 to vector<1x1xf32>
    %div3A_120 = arith.divf %mul3A_113, %div3A_119 : vector<1x1xf32>
    %add3A_121 = arith.constant 1.000000e+00 : f32
    %add3A_122 = vector.broadcast %add3A_121 : f32 to vector<1x1xf32>
    %add3A_123 = arith.addf %add3A_122, %div3A_120 : vector<1x1xf32>
    %div3A_124 = arith.constant 1.000000e+00 : f32
    %div3A_125 = vector.broadcast %div3A_124 : f32 to vector<1x1xf32>
    %div3A_126 = arith.divf %div3A_125, %exp3A_114 : vector<1x1xf32>
    %sub3A_127 = arith.subf %exp3A_114, %div3A_126 : vector<1x1xf32>
    %mul3A_128 = arith.constant 2.000000e+00 : f32
    %mul3A_129 = vector.broadcast %mul3A_128 : f32 to vector<1x1xf32>
    %mul3A_130 = arith.mulf %mul3A_129, %sqrt3A_112 : vector<1x1xf32>
    %div3A_131 = arith.divf %sub3A_127, %mul3A_130 : vector<1x1xf32>
    %select_n3A_132 = arith.select %lt3A_117, %add3A_123, %div3A_131 : vector<1x1xi1>, vector<1x1xf32>
    %mul3A_133 = vector.broadcast %select_n3A_132 : vector<1x1xf32> to vector<1x256xf32>
    %mul3A_134 = arith.mulf %mul3A_133, %select_n3A_104 : vector<1x256xf32>
    %mul3A_135 = arith.mulf %select_n3A_132, %select_n3A_132 : vector<1x1xf32>
    %mul3A_136 = arith.mulf %mul3A_135, %broadcast_in_dim3A_108 : vector<1x1xf32>
    %add3A_137 = arith.constant 1.000000e+00 : f32
    %add3A_138 = vector.broadcast %add3A_137 : f32 to vector<1x1xf32>
    %add3A_139 = arith.addf %add3A_138, %mul3A_136 : vector<1x1xf32>
    %jit3A_140 = arith.constant 4.000000e-03 : f32
    %max3A_141 = vector.broadcast %jit3A_140 : f32 to vector<1x1xf32>
    %max3A_142 = arith.maximumf %max3A_141, %add3A_139 : vector<1x1xf32>
    %sqrt3A_143 = math.sqrt %max3A_142 : vector<1x1xf32>
    %mul3A_144 = arith.mulf %select_n3A_132, %select_n3A_132 : vector<1x1xf32>
    %mul3A_145 = arith.mulf %mul3A_144, %broadcast_in_dim3A_108 : vector<1x1xf32>
    %jit3A_146 = arith.constant 1.000000e-15 : f32
    %max3A_147 = vector.broadcast %jit3A_146 : f32 to vector<1x1xf32>
    %max3A_148 = arith.maximumf %max3A_147, %mul3A_145 : vector<1x1xf32>
    %sqrt3A_149 = math.sqrt %max3A_148 : vector<1x1xf32>
    %jit3A_150 = arith.constant 1.004000e+00 : f32
    %max3A_151 = vector.broadcast %jit3A_150 : f32 to vector<1x1xf32>
    %max3A_152 = arith.maximumf %max3A_151, %sqrt3A_143 : vector<1x1xf32>
    %sub3A_153 = arith.constant 1.000000e+00 : f32
    %sub3A_154 = vector.broadcast %sub3A_153 : f32 to vector<1x1xf32>
    %sub3A_155 = arith.subf %max3A_152, %sub3A_154 : vector<1x1xf32>
    %add3A_156 = arith.constant 1.000000e+00 : f32
    %add3A_157 = vector.broadcast %add3A_156 : f32 to vector<1x1xf32>
    %add3A_158 = arith.addf %max3A_152, %add3A_157 : vector<1x1xf32>
    %mul3A_159 = arith.mulf %sub3A_155, %add3A_158 : vector<1x1xf32>
    %sqrt3A_160 = math.sqrt %mul3A_159 : vector<1x1xf32>
    %add3A_161 = arith.addf %max3A_152, %sqrt3A_160 : vector<1x1xf32>
    %log3A_162 = math.log %add3A_161 : vector<1x1xf32>
    %mul3A_163 = vector.broadcast %log3A_162 : vector<1x1xf32> to vector<1x256xf32>
    %mul3A_164 = arith.mulf %mul3A_163, %mul3A_134 : vector<1x256xf32>
    %div3A_165 = vector.broadcast %sqrt3A_149 : vector<1x1xf32> to vector<1x256xf32>
    %div3A_166 = arith.divf %mul3A_164, %div3A_165 : vector<1x256xf32>
    %mul3A_167 = arith.mulf %mul3A_89, %mul3A_89 : vector<1000x256xf32>
    %reduce_sum3A_168 = arith.constant dense<0.000000e+00> : vector<1000xf32>
    %reduce_sum3A_169 = vector.multi_reduction <add>, %mul3A_167, %reduce_sum3A_168 [1] : vector<1000x256xf32> to vector<1000xf32>
    %broadcast_in_dim3A_170 = vector.shape_cast %reduce_sum3A_169 : vector<1000xf32> to vector<1000x1xf32>
    %jit3A_171 = arith.constant 1.000000e-15 : f32
    %max3A_172 = vector.broadcast %jit3A_171 : f32 to vector<1000x1xf32>
    %max3A_173 = arith.maximumf %max3A_172, %broadcast_in_dim3A_170 : vector<1000x1xf32>
    %sqrt3A_174 = math.sqrt %max3A_173 : vector<1000x1xf32>
    %div3A_175 = vector.broadcast %sqrt3A_174 : vector<1000x1xf32> to vector<1000x256xf32>
    %div3A_176 = arith.divf %mul3A_89, %div3A_175 : vector<1000x256xf32>
    %mul3A_177 = vector.broadcast %div3A_166 : vector<1x256xf32> to vector<1000x256xf32>
    %mul3A_178 = arith.mulf %div3A_176, %mul3A_177 : vector<1000x256xf32>
    %reduce_sum3A_179 = arith.constant dense<0.000000e+00> : vector<1000xf32>
    %reduce_sum3A_180 = vector.multi_reduction <add>, %mul3A_178, %reduce_sum3A_179 [1] : vector<1000x256xf32> to vector<1000xf32>
    %broadcast_in_dim3A_181 = vector.shape_cast %reduce_sum3A_180 : vector<1000xf32> to vector<1000x1xf32>
    %sub3A_182 = arith.constant 1.000000e+00 : f32
    %sub3A_183 = vector.broadcast %sub3A_182 : f32 to vector<1000x1xf32>
    %sub3A_184 = arith.subf %sub3A_183, %sqrt3A_98 : vector<1000x1xf32>
    %mul3A_185 = arith.mulf %broadcast_in_dim3A_181, %sub3A_184 : vector<1000x1xf32>
    %mul3A_186 = vector.broadcast %mul3A_185 : vector<1000x1xf32> to vector<1000x256xf32>
    %mul3A_187 = arith.mulf %mul3A_186, %div3A_176 : vector<1000x256xf32>
    %sub3A_188 = vector.broadcast %div3A_166 : vector<1x256xf32> to vector<1000x256xf32>
    %sub3A_189 = arith.subf %sub3A_188, %mul3A_187 : vector<1000x256xf32>
    %mul3A_190 = arith.mulf %mul3A_89, %sub3A_189 : vector<1000x256xf32>
    %reduce_sum3A_191 = arith.constant dense<0.000000e+00> : vector<1000xf32>
    %reduce_sum3A_192 = vector.multi_reduction <add>, %mul3A_190, %reduce_sum3A_191 [1] : vector<1000x256xf32> to vector<1000xf32>
    %broadcast_in_dim3A_193 = vector.shape_cast %reduce_sum3A_192 : vector<1000xf32> to vector<1000x1xf32>
    %jit3A_194 = arith.constant 4.000000e-03 : f32
    %max3A_195 = vector.broadcast %jit3A_194 : f32 to vector<1000x1xf32>
    %max3A_196 = arith.maximumf %max3A_195, %sqrt3A_98 : vector<1000x1xf32>
    %div3A_197 = arith.divf %broadcast_in_dim3A_193, %max3A_196 : vector<1000x1xf32>
    %mul3A_198 = arith.mulf %sub3A_189, %sub3A_189 : vector<1000x256xf32>
    %reduce_sum3A_199 = arith.constant dense<0.000000e+00> : vector<1000xf32>
    %reduce_sum3A_200 = vector.multi_reduction <add>, %mul3A_198, %reduce_sum3A_199 [1] : vector<1000x256xf32> to vector<1000xf32>
    %broadcast_in_dim3A_201 = vector.shape_cast %reduce_sum3A_200 : vector<1000xf32> to vector<1000x1xf32>
    %mul3A_202 = arith.mulf %div3A_197, %div3A_197 : vector<1000x1xf32>
    %add3A_203 = arith.addf %broadcast_in_dim3A_201, %mul3A_202 : vector<1000x1xf32>
    %mul3A_204 = arith.constant 2.000000e+00 : f32
    %mul3A_205 = vector.broadcast %mul3A_204 : f32 to vector<1000x1xf32>
    %mul3A_206 = arith.mulf %mul3A_205, %div3A_197 : vector<1000x1xf32>
    %mul3A_207 = arith.mulf %mul3A_206, %div3A_197 : vector<1000x1xf32>
    %sub3A_208 = arith.subf %add3A_203, %mul3A_207 : vector<1000x1xf32>
    %jit3A_209 = arith.constant 4.000000e-03 : f32
    %max3A_210 = vector.broadcast %jit3A_209 : f32 to vector<1000x1xf32>
    %max3A_211 = arith.maximumf %max3A_210, %sub3A_208 : vector<1000x1xf32>
    %sqrt3A_212 = math.sqrt %max3A_211 : vector<1000x1xf32>
    %jit3A_213 = arith.constant 1.000000e+06 : f32
    %min3A = vector.broadcast %jit3A_213 : f32 to vector<1000x1xf32>
    %min3A_214 = arith.minimumf %min3A, %sqrt3A_212 : vector<1000x1xf32>
    %jit3A_215 = arith.constant 1.000000e-15 : f32
    %max3A_216 = vector.broadcast %jit3A_215 : f32 to vector<1000x1xf32>
    %max3A_217 = arith.maximumf %max3A_216, %min3A_214 : vector<1000x1xf32>
    %exp3A_218 = math.exp %max3A_217 : vector<1000x1xf32>
    %div3A_219 = arith.constant 1.000000e+00 : f32
    %div3A_220 = vector.broadcast %div3A_219 : f32 to vector<1000x1xf32>
    %div3A_221 = arith.divf %div3A_220, %exp3A_218 : vector<1000x1xf32>
    %add3A_222 = arith.addf %exp3A_218, %div3A_221 : vector<1000x1xf32>
    %mul3A_223 = arith.constant 5.000000e-01 : f32
    %mul3A_224 = vector.broadcast %mul3A_223 : f32 to vector<1000x1xf32>
    %mul3A_225 = arith.mulf %mul3A_224, %add3A_222 : vector<1000x1xf32>
    %mul3A_226 = arith.mulf %max3A_217, %max3A_217 : vector<1000x1xf32>
    %exp3A_227 = math.exp %max3A_217 : vector<1000x1xf32>
    %lt3A_228 = arith.constant 9.99999974E-5 : f32
    %lt3A_229 = vector.broadcast %lt3A_228 : f32 to vector<1000x1xf32>
    %lt3A_230 = arith.cmpf olt, %max3A_217, %lt3A_229 : vector<1000x1xf32>
    %div3A_231 = arith.constant 6.000000e+00 : f32
    %div3A_232 = vector.broadcast %div3A_231 : f32 to vector<1000x1xf32>
    %div3A_233 = arith.divf %mul3A_226, %div3A_232 : vector<1000x1xf32>
    %add3A_234 = arith.constant 1.000000e+00 : f32
    %add3A_235 = vector.broadcast %add3A_234 : f32 to vector<1000x1xf32>
    %add3A_236 = arith.addf %add3A_235, %div3A_233 : vector<1000x1xf32>
    %div3A_237 = arith.constant 1.000000e+00 : f32
    %div3A_238 = vector.broadcast %div3A_237 : f32 to vector<1000x1xf32>
    %div3A_239 = arith.divf %div3A_238, %exp3A_227 : vector<1000x1xf32>
    %sub3A_240 = arith.subf %exp3A_227, %div3A_239 : vector<1000x1xf32>
    %mul3A_241 = arith.constant 2.000000e+00 : f32
    %mul3A_242 = vector.broadcast %mul3A_241 : f32 to vector<1000x1xf32>
    %mul3A_243 = arith.mulf %mul3A_242, %max3A_217 : vector<1000x1xf32>
    %div3A_244 = arith.divf %sub3A_240, %mul3A_243 : vector<1000x1xf32>
    %select_n3A_245 = arith.select %lt3A_230, %add3A_236, %div3A_244 : vector<1000x1xi1>, vector<1000x1xf32>
    %mul3A_246 = vector.broadcast %mul3A_225 : vector<1000x1xf32> to vector<1000x256xf32>
    %mul3A_247 = arith.mulf %mul3A_246, %mul3A_89 : vector<1000x256xf32>
    %mul3A_248 = vector.broadcast %select_n3A_245 : vector<1000x1xf32> to vector<1000x256xf32>
    %mul3A_249 = arith.mulf %mul3A_248, %sub3A_189 : vector<1000x256xf32>
    %add3A_250 = arith.addf %mul3A_247, %mul3A_249 : vector<1000x256xf32>
    %mul3A_251 = arith.mulf %add3A_250, %add3A_250 : vector<1000x256xf32>
    %reduce_sum3A_252 = arith.constant dense<0.000000e+00> : vector<1000xf32>
    %reduce_sum3A_253 = vector.multi_reduction <add>, %mul3A_251, %reduce_sum3A_252 [1] : vector<1000x256xf32> to vector<1000xf32>
    %broadcast_in_dim3A_254 = vector.shape_cast %reduce_sum3A_253 : vector<1000xf32> to vector<1000x1xf32>
    %add3A_255 = arith.constant 1.000000e+00 : f32
    %add3A_256 = vector.broadcast %add3A_255 : f32 to vector<1000x1xf32>
    %add3A_257 = arith.addf %add3A_256, %broadcast_in_dim3A_254 : vector<1000x1xf32>
    %jit3A_258 = arith.constant 4.000000e-03 : f32
    %max3A_259 = vector.broadcast %jit3A_258 : f32 to vector<1000x1xf32>
    %max3A_260 = arith.maximumf %max3A_259, %add3A_257 : vector<1000x1xf32>
    %sqrt3A_261 = math.sqrt %max3A_260 : vector<1000x1xf32>
    %jit3A_262 = arith.constant 1.000000e-15 : f32
    %max3A_263 = vector.broadcast %jit3A_262 : f32 to vector<1000x1xf32>
    %max3A_264 = arith.maximumf %max3A_263, %broadcast_in_dim3A_254 : vector<1000x1xf32>
    %sqrt3A_265 = math.sqrt %max3A_264 : vector<1000x1xf32>
    %jit3A_266 = arith.constant 1.004000e+00 : f32
    %max3A_267 = vector.broadcast %jit3A_266 : f32 to vector<1000x1xf32>
    %max3A_268 = arith.maximumf %max3A_267, %sqrt3A_261 : vector<1000x1xf32>
    %sub3A_269 = arith.constant 1.000000e+00 : f32
    %sub3A_270 = vector.broadcast %sub3A_269 : f32 to vector<1000x1xf32>
    %sub3A_271 = arith.subf %max3A_268, %sub3A_270 : vector<1000x1xf32>
    %add3A_272 = arith.constant 1.000000e+00 : f32
    %add3A_273 = vector.broadcast %add3A_272 : f32 to vector<1000x1xf32>
    %add3A_274 = arith.addf %max3A_268, %add3A_273 : vector<1000x1xf32>
    %mul3A_275 = arith.mulf %sub3A_271, %add3A_274 : vector<1000x1xf32>
    %sqrt3A_276 = math.sqrt %mul3A_275 : vector<1000x1xf32>
    %add3A_277 = arith.addf %max3A_268, %sqrt3A_276 : vector<1000x1xf32>
    %log3A_278 = math.log %add3A_277 : vector<1000x1xf32>
    %mul3A_279 = vector.broadcast %log3A_278 : vector<1000x1xf32> to vector<1000x256xf32>
    %mul3A_280 = arith.mulf %mul3A_279, %add3A_250 : vector<1000x256xf32>
    %div3A_281 = vector.broadcast %sqrt3A_265 : vector<1000x1xf32> to vector<1000x256xf32>
    %div3A_282 = arith.divf %mul3A_280, %div3A_281 : vector<1000x256xf32>
    %slice3A = vector.extract_strided_slice %div3A_282 {offsets = [0, 0], sizes = [1000, 128], strides = [1, 1]} : vector<1000x256xf32> to vector<1000x128xf32>
    %swap3A = arith.constant 0 : index
    %swap3A_283 = arith.constant 0 : index
    %swap3A_284 = arith.constant 0 : index
    %swap3A_285 = vector.load %arg4[%swap3A, %swap3A_283, %swap3A_284] : memref<2x1000x128xf32, #tpu.memory_space<vmem>>, vector<1x1000x128xf32>
    %swap3A_286 = vector.shape_cast %swap3A_285 : vector<1x1000x128xf32> to vector<1000x128xf32>
    %swap3A_287 = vector.shape_cast %slice3A : vector<1000x128xf32> to vector<1x1000x128xf32>
    tpu.vector_store %arg4[%swap3A, %swap3A_283, %swap3A_284], %swap3A_287 {strides = array<i32>} : memref<2x1000x128xf32, #tpu.memory_space<vmem>>, vector<1x1000x128xf32>,
    %slice3A_288 = vector.extract_strided_slice %div3A_282 {offsets = [0, 128], sizes = [1000, 128], strides = [1, 1]} : vector<1000x256xf32> to vector<1000x128xf32>
    %swap3A_289 = arith.constant 1 : index
    %swap3A_290 = arith.constant 0 : index
    %swap3A_291 = arith.constant 0 : index
    %swap3A_292 = vector.load %arg4[%swap3A_289, %swap3A_290, %swap3A_291] : memref<2x1000x128xf32, #tpu.memory_space<vmem>>, vector<1x1000x128xf32>
    %swap3A_293 = vector.shape_cast %swap3A_292 : vector<1x1000x128xf32> to vector<1000x128xf32>
    %swap3A_294 = vector.shape_cast %slice3A_288 : vector<1000x128xf32> to vector<1x1000x128xf32>
    tpu.vector_store %arg4[%swap3A_289, %swap3A_290, %swap3A_291], %swap3A_294 {strides = array<i32>} : memref<2x1000x128xf32, #tpu.memory_space<vmem>>, vector<1x1000x128xf32>,
    return
  }
  func.func @transform_0(%arg0: i32) -> (i32, i32) {
    %c0_i32 = arith.constant 0 : i32
    %c0_i32_0 = arith.constant 0 : i32
    return %arg0, %c0_i32 : i32, i32
  }
  func.func @transform_1(%arg0: i32) -> (i32, i32) {
    %c0_i32 = arith.constant 0 : i32
    %c0_i32_0 = arith.constant 0 : i32
    %c0_i32_1 = arith.constant 0 : i32
    return %c0_i32, %c0_i32_0 : i32, i32
  }
  func.func @transform_2(%arg0: i32) -> (i32, i32) {
    %c0_i32 = arith.constant 0 : i32
    %c0_i32_0 = arith.constant 0 : i32
    %c0_i32_1 = arith.constant 0 : i32
    return %c0_i32, %c0_i32_0 : i32, i32
  }
  func.func @transform_3(%arg0: i32) -> (i32, i32, i32) {
    %c0_i32 = arith.constant 0 : i32
    %c0_i32_0 = arith.constant 0 : i32
    %c0_i32_1 = arith.constant 0 : i32
    return %c0_i32, %arg0, %c0_i32_0 : i32, i32, i32
  }
}

module attributes {stable_mosaic.version = 14 : i64} {
  func.func @_decoder_body(%arg0: i32, %arg1: memref<1x1000x128xf32, #tpu.memory_space<vmem>>, %arg2: memref<1x1000x128xf32, #tpu.memory_space<vmem>>, %arg3: memref<256x128xf32, #tpu.memory_space<vmem>>, %arg4: memref<1x128xf32, #tpu.memory_space<vmem>>, %arg5: memref<1000x128xf32, #tpu.memory_space<vmem>>) attributes {dimension_semantics = [#tpu.dimension_semantics<arbitrary>], iteration_bounds = array<i64: 10>, scalar_prefetch = 0 : i64, scratch_operands = 0 : i64, tpu.core_type = #tpu.core_type<tc>, window_params = [{transform_indices = @transform_0, window_bounds = array<i64: 1, 1000, 128>}, {transform_indices = @transform_1, window_bounds = array<i64: 1, 1000, 128>}, {pipeline_mode = #tpu.pipeline_mode<synchronous>, transform_indices = @transform_2, window_bounds = array<i64: 256, 128>}, {pipeline_mode = #tpu.pipeline_mode<synchronous>, transform_indices = @transform_3, window_bounds = array<i64: 1, 128>}, {transform_indices = @transform_4, window_bounds = array<i64: 1000, 128>}]} {
    %get3A = arith.constant 0 : index
    %get3A_0 = arith.constant 0 : index
    %get3A_1 = arith.constant 0 : index
    %get3A_2 = vector.load %arg1[%get3A, %get3A_0, %get3A_1] : memref<1x1000x128xf32, #tpu.memory_space<vmem>>, vector<1x1000x128xf32>
    %get3A_3 = vector.shape_cast %get3A_2 : vector<1x1000x128xf32> to vector<1000x128xf32>
    %get3A_4 = arith.constant 0 : index
    %get3A_5 = arith.constant 0 : index
    %get3A_6 = arith.constant 0 : index
    %get3A_7 = vector.load %arg2[%get3A_4, %get3A_5, %get3A_6] : memref<1x1000x128xf32, #tpu.memory_space<vmem>>, vector<1x1000x128xf32>
    %get3A_8 = vector.shape_cast %get3A_7 : vector<1x1000x128xf32> to vector<1000x128xf32>
    %concatenate3A = tpu.concatenate %get3A_3, %get3A_8 in 1 : vector<1000x128xf32>, vector<1000x128xf32> -> vector<1000x256xf32>
    %mul3A = arith.mulf %concatenate3A, %concatenate3A : vector<1000x256xf32>
    %reduce_sum3A = arith.constant dense<0.000000e+00> : vector<1000xf32>
    %reduce_sum3A_9 = vector.multi_reduction <add>, %mul3A, %reduce_sum3A [1] : vector<1000x256xf32> to vector<1000xf32>
    %broadcast_in_dim3A = vector.shape_cast %reduce_sum3A_9 : vector<1000xf32> to vector<1000x1xf32>
    %jit3A = arith.constant 1.000000e-15 : f32
    %max3A = vector.broadcast %jit3A : f32 to vector<1000x1xf32>
    %max3A_10 = arith.maximumf %max3A, %broadcast_in_dim3A : vector<1000x1xf32>
    %sqrt3A = math.sqrt %max3A_10 : vector<1000x1xf32>
    %mul3A_11 = arith.mulf %sqrt3A, %sqrt3A : vector<1000x1xf32>
    %exp3A = math.exp %sqrt3A : vector<1000x1xf32>
    %lt3A = arith.constant 9.99999974E-5 : f32
    %lt3A_12 = vector.broadcast %lt3A : f32 to vector<1000x1xf32>
    %lt3A_13 = arith.cmpf olt, %sqrt3A, %lt3A_12 : vector<1000x1xf32>
    %div3A = arith.constant 6.000000e+00 : f32
    %div3A_14 = vector.broadcast %div3A : f32 to vector<1000x1xf32>
    %div3A_15 = arith.divf %mul3A_11, %div3A_14 : vector<1000x1xf32>
    %add3A = arith.constant 1.000000e+00 : f32
    %add3A_16 = vector.broadcast %add3A : f32 to vector<1000x1xf32>
    %add3A_17 = arith.addf %add3A_16, %div3A_15 : vector<1000x1xf32>
    %div3A_18 = arith.constant 1.000000e+00 : f32
    %div3A_19 = vector.broadcast %div3A_18 : f32 to vector<1000x1xf32>
    %div3A_20 = arith.divf %div3A_19, %exp3A : vector<1000x1xf32>
    %sub3A = arith.subf %exp3A, %div3A_20 : vector<1000x1xf32>
    %mul3A_21 = arith.constant 2.000000e+00 : f32
    %mul3A_22 = vector.broadcast %mul3A_21 : f32 to vector<1000x1xf32>
    %mul3A_23 = arith.mulf %mul3A_22, %sqrt3A : vector<1000x1xf32>
    %div3A_24 = arith.divf %sub3A, %mul3A_23 : vector<1000x1xf32>
    %select_n3A = arith.select %lt3A_13, %add3A_17, %div3A_24 : vector<1000x1xi1>, vector<1000x1xf32>
    %mul3A_25 = vector.broadcast %select_n3A : vector<1000x1xf32> to vector<1000x256xf32>
    %mul3A_26 = arith.mulf %mul3A_25, %concatenate3A : vector<1000x256xf32>
    %mul3A_27 = arith.mulf %select_n3A, %select_n3A : vector<1000x1xf32>
    %mul3A_28 = arith.mulf %mul3A_27, %broadcast_in_dim3A : vector<1000x1xf32>
    %add3A_29 = arith.constant 1.000000e+00 : f32
    %add3A_30 = vector.broadcast %add3A_29 : f32 to vector<1000x1xf32>
    %add3A_31 = arith.addf %add3A_30, %mul3A_28 : vector<1000x1xf32>
    %jit3A_32 = arith.constant 4.000000e-03 : f32
    %max3A_33 = vector.broadcast %jit3A_32 : f32 to vector<1000x1xf32>
    %max3A_34 = arith.maximumf %max3A_33, %add3A_31 : vector<1000x1xf32>
    %sqrt3A_35 = math.sqrt %max3A_34 : vector<1000x1xf32>
    %mul3A_36 = arith.mulf %select_n3A, %select_n3A : vector<1000x1xf32>
    %mul3A_37 = arith.mulf %mul3A_36, %broadcast_in_dim3A : vector<1000x1xf32>
    %jit3A_38 = arith.constant 1.000000e-15 : f32
    %max3A_39 = vector.broadcast %jit3A_38 : f32 to vector<1000x1xf32>
    %max3A_40 = arith.maximumf %max3A_39, %mul3A_37 : vector<1000x1xf32>
    %sqrt3A_41 = math.sqrt %max3A_40 : vector<1000x1xf32>
    %jit3A_42 = arith.constant 1.004000e+00 : f32
    %max3A_43 = vector.broadcast %jit3A_42 : f32 to vector<1000x1xf32>
    %max3A_44 = arith.maximumf %max3A_43, %sqrt3A_35 : vector<1000x1xf32>
    %sub3A_45 = arith.constant 1.000000e+00 : f32
    %sub3A_46 = vector.broadcast %sub3A_45 : f32 to vector<1000x1xf32>
    %sub3A_47 = arith.subf %max3A_44, %sub3A_46 : vector<1000x1xf32>
    %add3A_48 = arith.constant 1.000000e+00 : f32
    %add3A_49 = vector.broadcast %add3A_48 : f32 to vector<1000x1xf32>
    %add3A_50 = arith.addf %max3A_44, %add3A_49 : vector<1000x1xf32>
    %mul3A_51 = arith.mulf %sub3A_47, %add3A_50 : vector<1000x1xf32>
    %sqrt3A_52 = math.sqrt %mul3A_51 : vector<1000x1xf32>
    %add3A_53 = arith.addf %max3A_44, %sqrt3A_52 : vector<1000x1xf32>
    %log3A = math.log %add3A_53 : vector<1000x1xf32>
    %mul3A_54 = vector.broadcast %log3A : vector<1000x1xf32> to vector<1000x256xf32>
    %mul3A_55 = arith.mulf %mul3A_54, %mul3A_26 : vector<1000x256xf32>
    %div3A_56 = vector.broadcast %sqrt3A_41 : vector<1000x1xf32> to vector<1000x256xf32>
    %div3A_57 = arith.divf %mul3A_55, %div3A_56 : vector<1000x256xf32>
    %max3A_58 = arith.constant 0.000000e+00 : f32
    %max3A_59 = vector.broadcast %max3A_58 : f32 to vector<1000x256xf32>
    %max3A_60 = arith.maximumf %div3A_57, %max3A_59 : vector<1000x256xf32>
    %mul3A_61 = arith.mulf %max3A_60, %max3A_60 : vector<1000x256xf32>
    %reduce_sum3A_62 = arith.constant dense<0.000000e+00> : vector<1000xf32>
    %reduce_sum3A_63 = vector.multi_reduction <add>, %mul3A_61, %reduce_sum3A_62 [1] : vector<1000x256xf32> to vector<1000xf32>
    %broadcast_in_dim3A_64 = vector.shape_cast %reduce_sum3A_63 : vector<1000xf32> to vector<1000x1xf32>
    %jit3A_65 = arith.constant 1.000000e-15 : f32
    %max3A_66 = vector.broadcast %jit3A_65 : f32 to vector<1000x1xf32>
    %max3A_67 = arith.maximumf %max3A_66, %broadcast_in_dim3A_64 : vector<1000x1xf32>
    %sqrt3A_68 = math.sqrt %max3A_67 : vector<1000x1xf32>
    %mul3A_69 = arith.mulf %sqrt3A_68, %sqrt3A_68 : vector<1000x1xf32>
    %exp3A_70 = math.exp %sqrt3A_68 : vector<1000x1xf32>
    %lt3A_71 = arith.constant 9.99999974E-5 : f32
    %lt3A_72 = vector.broadcast %lt3A_71 : f32 to vector<1000x1xf32>
    %lt3A_73 = arith.cmpf olt, %sqrt3A_68, %lt3A_72 : vector<1000x1xf32>
    %div3A_74 = arith.constant 6.000000e+00 : f32
    %div3A_75 = vector.broadcast %div3A_74 : f32 to vector<1000x1xf32>
    %div3A_76 = arith.divf %mul3A_69, %div3A_75 : vector<1000x1xf32>
    %add3A_77 = arith.constant 1.000000e+00 : f32
    %add3A_78 = vector.broadcast %add3A_77 : f32 to vector<1000x1xf32>
    %add3A_79 = arith.addf %add3A_78, %div3A_76 : vector<1000x1xf32>
    %div3A_80 = arith.constant 1.000000e+00 : f32
    %div3A_81 = vector.broadcast %div3A_80 : f32 to vector<1000x1xf32>
    %div3A_82 = arith.divf %div3A_81, %exp3A_70 : vector<1000x1xf32>
    %sub3A_83 = arith.subf %exp3A_70, %div3A_82 : vector<1000x1xf32>
    %mul3A_84 = arith.constant 2.000000e+00 : f32
    %mul3A_85 = vector.broadcast %mul3A_84 : f32 to vector<1000x1xf32>
    %mul3A_86 = arith.mulf %mul3A_85, %sqrt3A_68 : vector<1000x1xf32>
    %div3A_87 = arith.divf %sub3A_83, %mul3A_86 : vector<1000x1xf32>
    %select_n3A_88 = arith.select %lt3A_73, %add3A_79, %div3A_87 : vector<1000x1xi1>, vector<1000x1xf32>
    %mul3A_89 = vector.broadcast %select_n3A_88 : vector<1000x1xf32> to vector<1000x256xf32>
    %mul3A_90 = arith.mulf %mul3A_89, %max3A_60 : vector<1000x256xf32>
    %mul3A_91 = arith.mulf %select_n3A_88, %select_n3A_88 : vector<1000x1xf32>
    %mul3A_92 = arith.mulf %mul3A_91, %broadcast_in_dim3A_64 : vector<1000x1xf32>
    %add3A_93 = arith.constant 1.000000e+00 : f32
    %add3A_94 = vector.broadcast %add3A_93 : f32 to vector<1000x1xf32>
    %add3A_95 = arith.addf %add3A_94, %mul3A_92 : vector<1000x1xf32>
    %jit3A_96 = arith.constant 4.000000e-03 : f32
    %max3A_97 = vector.broadcast %jit3A_96 : f32 to vector<1000x1xf32>
    %max3A_98 = arith.maximumf %max3A_97, %add3A_95 : vector<1000x1xf32>
    %sqrt3A_99 = math.sqrt %max3A_98 : vector<1000x1xf32>
    %mul3A_100 = arith.mulf %select_n3A_88, %select_n3A_88 : vector<1000x1xf32>
    %mul3A_101 = arith.mulf %mul3A_100, %broadcast_in_dim3A_64 : vector<1000x1xf32>
    %jit3A_102 = arith.constant 1.000000e-15 : f32
    %max3A_103 = vector.broadcast %jit3A_102 : f32 to vector<1000x1xf32>
    %max3A_104 = arith.maximumf %max3A_103, %mul3A_101 : vector<1000x1xf32>
    %sqrt3A_105 = math.sqrt %max3A_104 : vector<1000x1xf32>
    %jit3A_106 = arith.constant 1.004000e+00 : f32
    %max3A_107 = vector.broadcast %jit3A_106 : f32 to vector<1000x1xf32>
    %max3A_108 = arith.maximumf %max3A_107, %sqrt3A_99 : vector<1000x1xf32>
    %sub3A_109 = arith.constant 1.000000e+00 : f32
    %sub3A_110 = vector.broadcast %sub3A_109 : f32 to vector<1000x1xf32>
    %sub3A_111 = arith.subf %max3A_108, %sub3A_110 : vector<1000x1xf32>
    %add3A_112 = arith.constant 1.000000e+00 : f32
    %add3A_113 = vector.broadcast %add3A_112 : f32 to vector<1000x1xf32>
    %add3A_114 = arith.addf %max3A_108, %add3A_113 : vector<1000x1xf32>
    %mul3A_115 = arith.mulf %sub3A_111, %add3A_114 : vector<1000x1xf32>
    %sqrt3A_116 = math.sqrt %mul3A_115 : vector<1000x1xf32>
    %add3A_117 = arith.addf %max3A_108, %sqrt3A_116 : vector<1000x1xf32>
    %log3A_118 = math.log %add3A_117 : vector<1000x1xf32>
    %mul3A_119 = vector.broadcast %log3A_118 : vector<1000x1xf32> to vector<1000x256xf32>
    %mul3A_120 = arith.mulf %mul3A_119, %mul3A_90 : vector<1000x256xf32>
    %div3A_121 = vector.broadcast %sqrt3A_105 : vector<1000x1xf32> to vector<1000x256xf32>
    %div3A_122 = arith.divf %mul3A_120, %div3A_121 : vector<1000x256xf32>
    %get3A_123 = arith.constant 0 : index
    %get3A_124 = arith.constant 0 : index
    %get3A_125 = vector.load %arg3[%get3A_123, %get3A_124] : memref<256x128xf32, #tpu.memory_space<vmem>>, vector<256x128xf32>
    %dot_general3A = arith.constant dense<0.000000e+00> : vector<1000x128xf32>
    %dot_general3A_126 = tpu.matmul %div3A_122, %get3A_125, %dot_general3A {dimension_numbers = #tpu.dot_dimension_numbers<[1], [0], [0], [1], [0, 0, 1, 1], [], []>, transpose_lhs_hint = false} : vector<1000x256xf32>, vector<256x128xf32>, vector<1000x128xf32> -> vector<1000x128xf32>
    %get3A_127 = arith.constant 0 : index
    %get3A_128 = arith.constant 0 : index
    %get3A_129 = vector.load %arg4[%get3A_127, %get3A_128] : memref<1x128xf32, #tpu.memory_space<vmem>>, vector<1x128xf32>
    %add3A_130 = vector.broadcast %get3A_129 : vector<1x128xf32> to vector<1000x128xf32>
    %add3A_131 = arith.addf %dot_general3A_126, %add3A_130 : vector<1000x128xf32>
    %iota3A = tpu.iota {dimensions = array<i32: 1>} : vector<1x128xi32>
    %lt3A_132 = arith.constant 40 : i32
    %lt3A_133 = vector.broadcast %lt3A_132 : i32 to vector<1x128xi32>
    %lt3A_134 = arith.cmpi slt, %iota3A, %lt3A_133 : vector<1x128xi32>
    %jit3A_135 = arith.constant -1.000000e+30 : f32
    %broadcast_in_dim3A_136 = vector.shape_cast %lt3A_134 : vector<1x128xi1> to vector<1x128xi1>
    %broadcast_in_dim3A_137 = vector.broadcast %broadcast_in_dim3A_136 : vector<1x128xi1> to vector<1000x128xi1>
    %broadcast_in_dim3A_138 = vector.broadcast %jit3A_135 : f32 to vector<1000x128xf32>
    %select_n3A_139 = arith.select %broadcast_in_dim3A_137, %add3A_131, %broadcast_in_dim3A_138 : vector<1000x128xi1>, vector<1000x128xf32>
    %reduce_max3A = arith.constant dense<0xFF800000> : vector<1000xf32>
    %reduce_max3A_140 = vector.multi_reduction <maximumf>, %select_n3A_139, %reduce_max3A [1] : vector<1000x128xf32> to vector<1000xf32>
    %broadcast_in_dim3A_141 = vector.shape_cast %reduce_max3A_140 : vector<1000xf32> to vector<1000x1xf32>
    %sub3A_142 = vector.broadcast %broadcast_in_dim3A_141 : vector<1000x1xf32> to vector<1000x128xf32>
    %sub3A_143 = arith.subf %add3A_131, %sub3A_142 : vector<1000x128xf32>
    %exp3A_144 = math.exp %sub3A_143 : vector<1000x128xf32>
    %jit3A_145 = arith.constant 0.000000e+00 : f32
    %broadcast_in_dim3A_146 = vector.shape_cast %lt3A_134 : vector<1x128xi1> to vector<1x128xi1>
    %broadcast_in_dim3A_147 = vector.broadcast %broadcast_in_dim3A_146 : vector<1x128xi1> to vector<1000x128xi1>
    %broadcast_in_dim3A_148 = vector.broadcast %jit3A_145 : f32 to vector<1000x128xf32>
    %select_n3A_149 = arith.select %broadcast_in_dim3A_147, %exp3A_144, %broadcast_in_dim3A_148 : vector<1000x128xi1>, vector<1000x128xf32>
    %reduce_sum3A_150 = arith.constant dense<0.000000e+00> : vector<1000xf32>
    %reduce_sum3A_151 = vector.multi_reduction <add>, %select_n3A_149, %reduce_sum3A_150 [1] : vector<1000x128xf32> to vector<1000xf32>
    %broadcast_in_dim3A_152 = vector.shape_cast %reduce_sum3A_151 : vector<1000xf32> to vector<1000x1xf32>
    %log3A_153 = math.log %broadcast_in_dim3A_152 : vector<1000x1xf32>
    %sub3A_154 = vector.broadcast %broadcast_in_dim3A_141 : vector<1000x1xf32> to vector<1000x128xf32>
    %sub3A_155 = arith.subf %add3A_131, %sub3A_154 : vector<1000x128xf32>
    %sub3A_156 = vector.broadcast %log3A_153 : vector<1000x1xf32> to vector<1000x128xf32>
    %sub3A_157 = arith.subf %sub3A_155, %sub3A_156 : vector<1000x128xf32>
    %swap3A = arith.constant 0 : index
    %swap3A_158 = arith.constant 0 : index
    %swap3A_159 = vector.load %arg5[%swap3A, %swap3A_158] : memref<1000x128xf32, #tpu.memory_space<vmem>>, vector<1000x128xf32>
    tpu.vector_store %arg5[%swap3A, %swap3A_158], %sub3A_157 {strides = array<i32>} : memref<1000x128xf32, #tpu.memory_space<vmem>>, vector<1000x128xf32>,
    return
  }
  func.func @transform_0(%arg0: i32) -> (i32, i32, i32) {
    %c0_i32 = arith.constant 0 : i32
    %c0_i32_0 = arith.constant 0 : i32
    %c0_i32_1 = arith.constant 0 : i32
    return %c0_i32, %arg0, %c0_i32_0 : i32, i32, i32
  }
  func.func @transform_1(%arg0: i32) -> (i32, i32, i32) {
    %c1_i32 = arith.constant 1 : i32
    %c0_i32 = arith.constant 0 : i32
    %c0_i32_0 = arith.constant 0 : i32
    return %c1_i32, %arg0, %c0_i32 : i32, i32, i32
  }
  func.func @transform_2(%arg0: i32) -> (i32, i32) {
    %c0_i32 = arith.constant 0 : i32
    %c0_i32_0 = arith.constant 0 : i32
    %c0_i32_1 = arith.constant 0 : i32
    return %c0_i32, %c0_i32_0 : i32, i32
  }
  func.func @transform_3(%arg0: i32) -> (i32, i32) {
    %c0_i32 = arith.constant 0 : i32
    %c0_i32_0 = arith.constant 0 : i32
    %c0_i32_1 = arith.constant 0 : i32
    return %c0_i32, %c0_i32_0 : i32, i32
  }
  func.func @transform_4(%arg0: i32) -> (i32, i32) {
    %c0_i32 = arith.constant 0 : i32
    %c0_i32_0 = arith.constant 0 : i32
    return %arg0, %c0_i32 : i32, i32
  }
}

</mosaic_0001>

<sc_bundles>
// kernel: kernel.5.cloned.1.call-start
scs
__scs_entry_jumppad:
0x0: {  	(pc) =	sbr.rel $0x88, $3  }
0x1: {  	(tag) =	ssettag $0x0;
	lr =	simm.s32 $0x1  }
0x2: {  	[smem:$0x3F9B] =	sst lr;
	_ =	strace $0xD0000000  }
0x3: {  	_ = 	snop  }
0x4: {  	_ = 	snop  }
0x5: {  	_ = 	snop  }
0x6: {  	_ = 	snop  }
0x7: {  	_ = 	snop  }
__scs_overlays_trampoline_lowered:
0x8: {  	[smem:$0x3FAA] =	sst s0  }
0x9: {  	[smem:$0x3FAB] =	sst s1  }
0xa: {  	[smem:$0x3FAC] =	sst s2  }
0xb: {  	[smem:$0x3FAD] =	sst s3  }
0xc: {  	[smem:$0x3FAE] =	sst s4  }
0xd: {  	[smem:$0x3FAF] =	sst s5  }
0xe: {  	[smem:$0x3FB0] =	sst s6  }
0xf: {  	[smem:$0x3FB1] =	sst s7  }
0x10: {  	[smem:$0x3FB2] =	sst s8  }
0x11: {  	[smem:$0x3FB3] =	sst s9;
	s0 =	simm.s32 @!p0 $0x0  }
0x12: {  	s1 =	sld [smem:$0x3F99];
	s0 =	simm.s32 @p0 $0x1  }
0x13: {  	[smem:$0x3FB4] =	sst s0;
	s0 =	simm.s32 @!p1 $0x0  }
0x14: {  	s2 =	sld [smem:$0x3F98];
	s0 =	simm.s32 @p1 $0x1  }
0x15: {  	[smem:$0x3FB5] =	sst s0;
	s0 =	simm.s32 @!p2 $0x0  }
0x16: {  	s3 =	sld [smem:$0x3FDB];
	s0 =	simm.s32 @p2 $0x1  }
0x17: {  	s4 =	simm.s32 $0x1BF5;
	[smem:$0x3FB7] =	sst s0  }
0x18: {  	s0 =	sld [smem:$0x3F9A];
	_ =	swait.ge [sflag:s4], $0x0  }
0x19: {  	s7 =	sld [smem:$0x3F9B]  }
0x1a: {  	s8 =	sadd.s32 $0xFFFFE003, lr  }
0x1b: {  	s9 =	sadd.s32 $0xFFFFFEF7, lr;
	s5 =	simm.s32 $0xFFFFFFFF;
	p2 =	slt.u32 s8, $0xFFFFF086  }
0x1c: {  	p1 =	slt.u32 s9, $0xF7A;
	s5 =	simm.s32 @!p2 $0x0  }
0x1d: {  	s5 =	simm.s32 @p1 $0x1;
	p0 =	seq.s32 s7, s2  }
0x1e: {  	s7 =	smul.u32 @!p0 $0xF7A, s2;
	p2 =	seq.s32 @!p0 s5, $0x0  }
0x1f: {  	s9 =	smul.u32 $0xF7A, s1;
	s8 =	simm.s32 @!p0 $0x1BF5;
	p2 =	por !p2, p0  }
0x20: {  	[sflag:s8] =	ssyncset.s32 @!p0 $0xFFFFF086;
	s6 =	sadd.s32 @!p0 s3, s7;
	s7 =	simm.s32 @!p0 $0x108  }
0x21: {  	s3 =	sadd.s32 s3, s9;
	s6 =	sadd.s32 @!p0 $0x88, s6;
	s7 =	simm.s32 @p2 $0x1082  }
0x22: {  	[simem:s7], [sflag:s8] =	dma.local @!p0 [hbm:s6], $0xF7A  }
0x23: {  	s9 =	sor.u32 $0xD0000000, s2;
	s6 =	simm.s32 $0x108;
	_ =	swait.ge @!p0 [sflag:s8], $0x0  }
0x24: {  	s3 =	sadd.s32 $0x88, s3;
	s6 =	simm.s32 @!p1 $0x1082;
	[sflag:s4] =	ssyncset.s32 $0xFFFFF086  }
0x25: {  	[simem:s6], [sflag:s4] =	dma.local [hbm:s3], $0xF7A  }
0x26: {  	[smem:$0x3F9B] =	sst s1;
	(tag) =	ssettag s2;
	_ =	strace s9  }
0x27: {  	s1 =	sld [smem:$0x3FAB]  }
0x28: {  	s2 =	sld [smem:$0x3FAC]  }
0x29: {  	s4 =	sld [smem:$0x3FAE]  }
0x2a: {  	p0 =	seq.s32 s5, $0x0;
	s5 =	sld [smem:$0x3FAF]  }
0x2b: {  	s6 =	sld [smem:$0x3FB0]  }
0x2c: {  	s7 =	sld [smem:$0x3FB1]  }
0x2d: {  	s3 =	simm.s32 $0x108;
	s8 =	sld [smem:$0x3FB2]  }
0x2e: {  	s3 =	simm.s32 @!p0 $0x1082;
	s9 =	sld [smem:$0x3FB3]  }
0x2f: {  	lr =	sadd.s32 s0, s3;
	s0 =	sld [smem:$0x3FAA]  }
0x30: {  	s3 =	sld [smem:$0x3FAD]  }
0x31: {  	[smem:$0x3FB6] =	sst s10  }
0x32: {  	s10 =	sld [smem:$0x3FB4];
	_ =	sdelay $0x3  }
0x33: {  	p0 =	seq.s32 s10, $0x1;
	s10 =	sld [smem:$0x3FB6];
	_ =	sdelay $0x3  }
0x34: {  	[smem:$0x3FB6] =	sst s10  }
0x35: {  	s10 =	sld [smem:$0x3FB5];
	_ =	sdelay $0x3  }
0x36: {  	p1 =	seq.s32 s10, $0x1;
	s10 =	sld [smem:$0x3FB6];
	_ =	sdelay $0x3  }
0x37: {  	[smem:$0x3FB6] =	sst s10  }
0x38: {  	s10 =	sld [smem:$0x3FB7]  }
0x39: {  	_ = 	snop;
	(pc) =	sbr.ind lr, $3  }
0x3a: {  	_ = 	snop  }
0x3b: {  	_ = 	snop  }
0x3c: {  	p2 =	seq.s32 s10, $0x1;
	s10 =	sld [smem:$0x3FB6]  }
0x3d: {  	_ =	shalt  }
0x3e: {  	_ =	shalt  }
0x3f: {  	_ =	shalt  }
0x40: {  	_ =	shalt  }
0x41: {  	_ =	shalt  }
0x42: {  	_ =	shalt  }
0x43: {  	_ =	shalt  }
0x44: {  	_ =	shalt  }
0x45: {  	_ =	shalt  }
0x46: {  	_ =	shalt  }
0x47: {  	_ =	shalt  }
0x48: {  	_ =	shalt  }
0x49: {  	_ =	shalt  }
0x4a: {  	_ =	shalt  }
0x4b: {  	_ =	shalt  }
0x4c: {  	_ =	shalt  }
0x4d: {  	_ =	shalt  }
0x4e: {  	_ =	shalt  }
0x4f: {  	_ =	shalt  }
0x50: {  	_ =	shalt  }
0x51: {  	_ =	shalt  }
0x52: {  	_ =	shalt  }
0x53: {  	_ =	shalt  }
0x54: {  	_ =	shalt  }
0x55: {  	_ =	shalt  }
0x56: {  	_ =	shalt  }
0x57: {  	_ =	shalt  }
0x58: {  	_ =	shalt  }
0x59: {  	_ =	shalt  }
0x5a: {  	_ =	shalt  }
0x5b: {  	_ =	shalt  }
0x5c: {  	_ =	shalt  }
0x5d: {  	_ =	shalt  }
0x5e: {  	_ =	shalt  }
0x5f: {  	_ =	shalt  }
0x60: {  	_ =	shalt  }
0x61: {  	_ =	shalt  }
0x62: {  	_ =	shalt  }
0x63: {  	_ =	shalt  }
0x64: {  	_ =	shalt  }
0x65: {  	_ =	shalt  }
0x66: {  	_ =	shalt  }
0x67: {  	_ =	shalt  }
0x68: {  	_ =	shalt  }
0x69: {  	_ =	shalt  }
0x6a: {  	_ =	shalt  }
0x6b: {  	_ =	shalt  }
0x6c: {  	_ =	shalt  }
0x6d: {  	_ =	shalt  }
0x6e: {  	_ =	shalt  }
0x6f: {  	_ =	shalt  }
0x70: {  	_ =	shalt  }
0x71: {  	_ =	shalt  }
0x72: {  	_ =	shalt  }
0x73: {  	_ =	shalt  }
0x74: {  	_ =	shalt  }
0x75: {  	_ =	shalt  }
0x76: {  	_ =	shalt  }
0x77: {  	_ =	shalt  }
0x78: {  	_ =	shalt  }
0x79: {  	_ =	shalt  }
0x7a: {  	_ =	shalt  }
0x7b: {  	_ =	shalt  }
0x7c: {  	_ =	shalt  }
0x7d: {  	_ =	shalt  }
0x7e: {  	_ =	shalt  }
0x7f: {  	_ =	shalt  }
0x80: {  	_ =	shalt  }
0x81: {  	_ =	shalt  }
0x82: {  	_ =	shalt  }
0x83: {  	_ =	shalt  }
0x84: {  	_ =	shalt  }
0x85: {  	_ =	shalt  }
0x86: {  	_ =	shalt  }
0x87: {  	_ =	shalt  }
.Lfunc_end0:
.L_simem_size_0:
called_computation_lowered:
.L_overlay_start_0:
0x88: {  	s2 =	sld [smem:$0x3FD9]  }
0x89: {  	s3 =	sld [smem:$0x3FFE];
	_ =	sdelay $0x1  }
0x8a: {  	s1 =	srdreg.scid  }
0x8b: {  	s0 =	sand.u32 $0x1, s1  }
0x8c: {  	s17 =	sshll.u32 s0, $0xA;
	s2 =	sadd.s32 s3, s2  }
0x8d: {  	s2 =	sadd.s32 s2, s17  }
0x8e: {  	[smem:$0x3FC2] =	sst s2  }
0x8f: {  	_ = 	snop  }
0x90: {  	s2 =	sld [smem:$0x3FD0];
	(tm) =	ssettm $0x1  }
0x91: {  	s18 =	sld [smem:$0x3FFB];
	_ =	sdelay $0x3  }
0x92: {  	_ =	strace s18  }
0x93: {  	s3 =	sld [smem:$0x3FFC];
	_ =	sdelay $0x3  }
0x94: {  	_ =	strace s3  }
0x95: {  	s3 =	sld [smem:$0x3FFD];
	_ =	sdelay $0x3  }
0x96: {  	_ =	strace s3  }
0x97: {  	_ =	strace $0x8FFFFFFF  }
0x98: {  	s19 =	sld [smem:$0x3FDB];
	_ =	sdelay $0x1  }
0x99: {  	s4 =	simm.s32 $_scs_section_size  }
0x9a: {  	s5 =	simm.s32 $_size__tile_overlayer_lowered;
	s6 =	simm.s32 $_tile_overlayer_lowered  }
0x9b: {  	s22 =	simm.s32 $0x1BFF;
	s21 =	sshll.u32 s6, $0x1;
	s3 =	sadd.s32 s4, s19  }
0x9c: {  	s7 =	simm.s32 $0x0;
	s20 =	sshll.u32 s5, $0x1;
	s5 =	sadd.s32 s21, s3  }
0x9d: {  	[timem:s7], [sflag:s22] =	dma.local [hbm:s5], s20  }
0x9e: {  	_ =	swait.ge [sflag:s22], s20  }
0x9f: {  	s4 =	ssub.s32 $0x0, s20;
	[sflag:s22] =	ssyncset.done $0x0  }
0xa0: {  	[sflag:s22] =	ssyncadd.s32 s4;
	_ =	sdelay $0x1  }
0xa1: {  	s23 =	simm.s32 $0x1B8B  }
0xa2: {  	_ =	swait.ge [sflag:s23], $0x1  }
0xa3: {  	[sflag:s23] =	ssyncset.done $0x0  }
0xa4: {  	s25 =	simm.s32 $0x1B8E;
	s24 =	sld [smem:$0x3FFE];
	[sflag:s23] =	ssyncadd.s32 $0xFFFFFFFF  }
0xa5: {  	s26 =	simm.s32 $execute0_lowered;
	[smem:$0x3FD2] =	sst s25  }
0xa6: {  	s5 =	sshll.u32 s26, $0x1;
	_ =	strace $0x80000046;
	[dreg:$0x1] =	wrdreg $0xFFFFFFFF  }
0xa7: {  	s28 =	simm.s32 $_size_execute0_lowered;
	s3 =	sadd.s32 s3, s5;
	[dreg:$0x0] =	wrdreg $0x0  }
0xa8: {  	s5 =	sshll.u32 s28, $0x1;
	[dreg:$0x2] =	wrdreg s3  }
0xa9: {  	[dreg:$0x3] =	wrdreg s5  }
0xaa: {  	[dreg:$0x4] =	wrdreg $0xC0  }
0xab: {  	_ =	task [dreg:s7], $0x5FFFF  }
0xac: {  	[dreg:$0x1] =	wrdreg $0xFFFFFFFF  }
0xad: {  	[dreg:$0x0] =	wrdreg $0x60  }
0xae: {  	[dreg:$0x2] =	wrdreg s24  }
0xaf: {  	[dreg:$0x3] =	wrdreg s2  }
0xb0: {  	[dreg:$0x4] =	wrdreg $0xC3000  }
0xb1: {  	[dreg:$0x5] =	wrdreg $0x9  }
0xb2: {  	_ =	task.clear_ibuf [dreg:s7], $0x6FFFF;
	_ =	strace $0x90000046  }
0xb3: {  	s29 =	simm.s32 $0x9;
	_ =	strace $0x80000048  }
0xb4: {  	_ =	swait.ge [sflag:s29], $0x1  }
0xb5: {  	[sflag:s29] =	ssyncadd.s32 $0xFFFFFFFF  }
0xb6: {  	_ =	strace $0x90000048  }
0xb7: {  	_ =	sfence  }
0xb8: {  	s30 =	sld [smem:$0x0];
	_ =	sdelay $0x2  }
0xb9: {  	s31 =	sshll.u32 s1, $0xD;
	s1 =	sshrl.u32 s1, $0x2  }
0xba: {  	s3 =	sand.u32 $0x4000, s31;
	s1 =	sadd.s32 s1, s30  }
0xbb: {  	s0 =	sor.u32 s3, s0;
	s1 =	sshll.u32 s1, $0x11  }
0xbc: {  	s0 =	sor.u32 s1, s0  }
0xbd: {  	s0 =	sadd.s32 $0x8F2B, s0  }
0xbe: {  	[sflag:s0] =	ssyncadd.remote.s32 $0x1  }
0xbf: {  	_ =	sfence.sel $0xFFFF  }
0xc0: {  	[dreg:$0x0] =	wrdreg $0xFFFFFFFF;
	(pc) =	sbr.abs _section_cstart, $3  }
0xc1: {  	[dreg:$0x1] =	wrdreg $0xFFFFFFFF  }
0xc2: {  	_ =	task.clear_ibuf [dreg:s7], $0x2FFFF;
	_ =	strace $0x9FFFFFFF  }
0xc3: {  	(tm) =	ssettm $0x7FFFFFFF  }
tec
execute0_lowered:
.L_overlay_start_1:
0x0: {  	(tag) =	ssettag $0x1  }
0x1: {  	s6 =	rddreg [dreg:$0x0]  }
0x2: {  	s12 =	rddreg [dreg:$0x1]  }
0x3: {  	s1 =	rddreg [dreg:$0x2]  }
0x4: {  	s2 =	srdreg.scid;
	s3 =	simm.s32 $0x0;
	s17 =	simm.s32 $0x300  }
0x5: {  	s18 =	simm.s32 $0x200;
	s19 =	simm.s32 $0x4300;
	s20 =	simm.s32 $0x100  }
0x6: {  	s21 =	simm.s32 $0x280;
	s22 =	simm.s32 $0x8300;
	s23 =	simm.s32 $0x1  }
0x7: {  	s28 =	simm.s32 $0x0;
	s7 =	sand.u32 $0x1, s2;
	s2 =	stileid.u32  }
0x8: {  	[smem:$0x7FF] =	sst s3;
	s4 =	sadd.s32 $0xA000, s6;
	s8 =	smul.u32 $0x13C000, s7  }
0x9: {  	s11 =	sadd.s32 $0x200, s6;
	s5 =	sadd.s32 $0x58200, s6;
	s9 =	smul.u32 $0x13C00, s2  }
0xa: {  	_ =	strace $0x80000047;
	s24 =	ssub.s32 $0x2, s7;
	s10 =	smul.u32 $0x4F000, s2  }
0xb: {  	s26 =	smul.u32 $0x4E20, s2;
	s30 =	sshll.u32 s2, $0x6;
	s25 =	sshrl.u32 s24, $0x1  }
0xc: {  	s16 =	smul.u32 $0x9C4, s2;
	s8 =	sadd.s32 s9, s8;
	s14 =	ssub.s32 s24, s25  }
0xd: {  	s25 =	smul.u32 $0x2710, s7;
	s29 =	sshrl.u32 s10, $0x2;
	s31 =	sshrl.u32 s26, $0x3  }
0xe: {  	s24 =	simm.s32 $0x2;
	s26 =	simm.s32 $0x20;
	s8 =	sshrl.u32 s8, $0x3  }
0xf: {  	s15 =	sadd.s32 s29, s1;
	s10 =	smax.u32 s14, $0x1;
	s14 =	simm.s32 $0x4  }
0x10: {  	s13 =	sadd.s32 s8, s6;
	s6 =	sor.u32 $0x1C04, s30;
	s8 =	sadd.s32 $0x9C0, s31  }
0x11: {  	v0 =	vmov s25;
	s25 =	simm.s32 $0x3;
	s7 =	sadd.s32 s12, s8;
	s8 =	sadd.s32 s11, s8  }
0x12: {  	s9 =	sadd.s32 $0x5AA00, s13;
	s11 =	sadd.s32 s16, s11;
	s12 =	sadd.s32 s16, s12  }
0x13: {  	s13 =	sshrl.u32 s15, $0x3;
	s15 =	simm.s32 $0x180;
	s16 =	simm.s32 $0x80  }
.LBB2_1:
0x14: {  	[spmem:s13], [sflag:s6] =	dma.local [hbm:s5], $0x2780  }
0x15: {  	_ =	swait.ge [sflag:s14], $0x2780  }
0x16: {  	[sflag:s14] =	ssyncset.done $0x0  }
0x17: {  	[sflag:s14] =	ssyncadd.s32 $0xFFFFD880  }
0x18: {  	s29 =	sadd.s32 $0x0, s12;
	[bflag:$0x0] =	sbarrier.arrive $0xFFFF  }
0x19: {  	[tilespmem:s3], [sflag:$0x4] =	stream.linear.gather [hbm4b:s29+s3], $0x80, $0x38;
	[tilespmem:$0x1FF00] =	vst v63  }
0x1a: {  	_ =	swait.ge [sflag:s14], $0x80  }
0x1b: {  	[sflag:s14] =	ssyncset.done $0x0  }
0x1c: {  	s30 =	sadd.s32 $0x0, s11;
	[sflag:s14] =	ssyncadd.s32 $0xFFFFFF80  }
0x1d: {  	[tilespmem:s15], [sflag:$0x4] =	stream.linear.gather [hbm4b:s30+s3], $0x80, $0x38;
	[tilespmem:$0x1FF00] =	vst v63  }
0x1e: {  	_ =	swait.ge [sflag:s14], $0x80  }
0x1f: {  	[sflag:s14] =	ssyncset.done $0x0  }
0x20: {  	[sflag:s14] =	ssyncadd.s32 $0xFFFFFF80  }
0x21: {  	v1 =	vld [tilespmem:$0x70]  }
0x22: {  	v2 =	vld [tilespmem:$0x30]  }
0x23: {  	v3 =	vld [tilespmem:$0x20]  }
0x24: {  	v4 =	vld [tilespmem:$0x10]  }
0x25: {  	v5 =	vld [tilespmem:$0x50]  }
0x26: {  	v7 =	vld [tilespmem:$0x0];
	v1 =	vadd.s32 v0, v1  }
0x27: {  	v6 =	vld [tilespmem:$0x60];
	v2 =	vadd.s32 v0, v2;
	[tilespmem:$0x70] =	vst v1  }
0x28: {  	v1 =	vadd.s32 v0, v3;
	[tilespmem:$0x30] =	vst v2;
	v2 =	vld [tilespmem:$0x40]  }
0x29: {  	v3 =	vadd.s32 v0, v4;
	[tilespmem:$0x20] =	vst v1  }
0x2a: {  	[tilespmem:$0x10] =	vst v3;
	v1 =	vadd.s32 v0, v5  }
0x2b: {  	v3 =	vadd.s32 v0, v7;
	[tilespmem:$0x50] =	vst v1  }
0x2c: {  	v1 =	vadd.s32 v0, v6;
	[tilespmem:$0x0] =	vst v3  }
0x2d: {  	[tilespmem:$0x60] =	vst v1;
	v1 =	vadd.s32 v0, v2  }
0x2e: {  	[tilespmem:$0x40] =	vst v1  }
0x2f: {  	[tilespmem:s17], [sflag:$0x1] =	stream.indirect.gather [hbm4b:s4+s16], $0x80, s3, s16, $0xb8;
	[tilespmem:$0x1FF00] =	vst v63  }
0x30: {  	s31 =	sadd.s32 $0x10, s29  }
0x31: {  	[tilespmem:s16], [sflag:$0x4] =	stream.linear.gather [hbm4b:s31+s3], $0x80, $0x38;
	[tilespmem:$0x1FF00] =	vst v63  }
0x32: {  	_ =	swait.ge [sflag:s14], $0x80  }
0x33: {  	[sflag:s14] =	ssyncset.done $0x0  }
0x34: {  	s0 =	sadd.s32 $0x10, s30;
	[sflag:s14] =	ssyncadd.s32 $0xFFFFFF80  }
0x35: {  	[tilespmem:s18], [sflag:$0x4] =	stream.linear.gather [hbm4b:s0+s3], $0x80, $0x38;
	[tilespmem:$0x1FF00] =	vst v63  }
0x36: {  	_ =	swait.ge [sflag:s14], $0x80  }
0x37: {  	[sflag:s14] =	ssyncset.done $0x0  }
0x38: {  	[sflag:s14] =	ssyncadd.s32 $0xFFFFFF80  }
0x39: {  	v1 =	vld [tilespmem:$0xD0]  }
0x3a: {  	v3 =	vld [tilespmem:$0xE0]  }
0x3b: {  	v2 =	vld [tilespmem:$0xF0]  }
0x3c: {  	v58 =	vld [tilespmem:$0x80]  }
0x3d: {  	v57 =	vld [tilespmem:$0xC0]  }
0x3e: {  	v60 =	vld [tilespmem:$0xB0];
	v1 =	vadd.s32 v0, v1  }
0x3f: {  	v59 =	vld [tilespmem:$0xA0];
	v3 =	vadd.s32 v0, v3;
	[tilespmem:$0xD0] =	vst v1  }
0x40: {  	v1 =	vadd.s32 v0, v2;
	v2 =	vld [tilespmem:$0x90];
	[tilespmem:$0xE0] =	vst v3  }
0x41: {  	v3 =	vadd.s32 v0, v58;
	[tilespmem:$0xF0] =	vst v1  }
0x42: {  	v1 =	vadd.s32 v0, v57;
	[tilespmem:$0x80] =	vst v3  }
0x43: {  	v3 =	vadd.s32 v0, v60;
	[tilespmem:$0xC0] =	vst v1  }
0x44: {  	v1 =	vadd.s32 v0, v59;
	[tilespmem:$0xB0] =	vst v3  }
0x45: {  	[tilespmem:$0xA0] =	vst v1;
	v1 =	vadd.s32 v0, v2  }
0x46: {  	[tilespmem:$0x90] =	vst v1  }
0x47: {  	[tilespmem:s19], [sflag:$0x2] =	stream.indirect.gather [hbm4b:s4+s16], $0x80, s16, s16, $0xb8;
	[tilespmem:$0x1FF00] =	vst v63  }
0x48: {  	s29 =	sadd.s32 $0x20, s29  }
0x49: {  	[tilespmem:s20], [sflag:$0x4] =	stream.linear.gather [hbm4b:s29+s3], $0x80, $0x38;
	[tilespmem:$0x1FF00] =	vst v63  }
0x4a: {  	_ =	swait.ge [sflag:s14], $0x80  }
0x4b: {  	[sflag:s14] =	ssyncset.done $0x0  }
0x4c: {  	s29 =	sadd.s32 $0x20, s30;
	[sflag:s14] =	ssyncadd.s32 $0xFFFFFF80  }
0x4d: {  	[tilespmem:s21], [sflag:$0x4] =	stream.linear.gather [hbm4b:s29+s3], $0x80, $0x38;
	[tilespmem:$0x1FF00] =	vst v63  }
0x4e: {  	_ =	swait.ge [sflag:s14], $0x80  }
0x4f: {  	[sflag:s14] =	ssyncset.done $0x0  }
0x50: {  	[sflag:s14] =	ssyncadd.s32 $0xFFFFFF80  }
0x51: {  	v1 =	vld [tilespmem:$0x100]  }
0x52: {  	v2 =	vld [tilespmem:$0x110]  }
0x53: {  	v3 =	vld [tilespmem:$0x120]  }
0x54: {  	v61 =	vld [tilespmem:$0x140]  }
0x55: {  	v62 =	vld [tilespmem:$0x150]  }
0x56: {  	v1 =	vadd.s32 v0, v1  }
0x57: {  	[tilespmem:$0x100] =	vst v1;
	v1 =	vadd.s32 v0, v2  }
0x58: {  	[tilespmem:$0x110] =	vst v1;
	v1 =	vadd.s32 v0, v3  }
0x59: {  	v63 =	vld [tilespmem:$0x160];
	[tilespmem:$0x120] =	vst v1;
	v1 =	vadd.s32 v0, v61  }
0x5a: {  	v2 =	vld [tilespmem:$0x170];
	[tilespmem:$0x140] =	vst v1;
	v1 =	vadd.s32 v0, v62  }
0x5b: {  	[tilespmem:$0x150] =	vst v1;
	v1 =	vld [tilespmem:$0x130];
	_ =	sdelay $0x2  }
0x5c: {  	v3 =	vadd.s32 v0, v63  }
0x5d: {  	s29 =	simm.s32 $0x30;
	[tilespmem:$0x160] =	vst v3;
	v2 =	vadd.s32 v0, v2  }
.LBB2_2:
0x5e: {  	p0 =	sne.s32 s29, $0x990;
	v1 =	vadd.s32 v0, v1;
	[tilespmem:$0x170] =	vst v2;
	s31 =	smov.u32 s29;
	s29 =	sadd.s32 $0x30, s29  }
0x5f: {  	[tilespmem:$0x130] =	vst v1  }
0x60: {  	[tilespmem:s22], [sflag:$0x3] =	stream.indirect.gather [hbm4b:s4+s16], $0x80, s20, s16, $0xb8;
	[tilespmem:$0x1FF00] =	vst v63  }
0x61: {  	_ =	swait.ge [sflag:s23], $0x4000  }
0x62: {  	[sflag:s23] =	ssyncset.done $0x0  }
0x63: {  	[sflag:s23] =	ssyncadd.s32 $0xFFFFC000  }
0x64: {  	[spmem:s1] =	stream.indirect.scatter.add.f32 [tilespmem:s17], [sflag:$0x4], $0x80, s15, s16, $0xb8;
	[tilespmem:$0x1FF00] =	vst v63  }
0x65: {  	_ =	swait.ge [sflag:s14], $0x4000  }
0x66: {  	[sflag:s14] =	ssyncset.done $0x0  }
0x67: {  	[sflag:s14] =	ssyncadd.s32 $0xFFFFC000  }
0x68: {  	_ =	swait.ge [sflag:s24], $0x4000  }
0x69: {  	[sflag:s24] =	ssyncset.done $0x0  }
0x6a: {  	[sflag:s24] =	ssyncadd.s32 $0xFFFFC000  }
0x6b: {  	[spmem:s1] =	stream.indirect.scatter.add.f32 [tilespmem:s19], [sflag:$0x4], $0x80, s18, s16, $0xb8;
	[tilespmem:$0x1FF00] =	vst v63  }
0x6c: {  	_ =	swait.ge [sflag:s14], $0x4000  }
0x6d: {  	[sflag:s14] =	ssyncset.done $0x0  }
0x6e: {  	[sflag:s14] =	ssyncadd.s32 $0xFFFFC000  }
0x6f: {  	_ =	swait.ge [sflag:s25], $0x4000  }
0x70: {  	[sflag:s25] =	ssyncset.done $0x0  }
0x71: {  	[sflag:s25] =	ssyncadd.s32 $0xFFFFC000  }
0x72: {  	[spmem:s1] =	stream.indirect.scatter.add.f32 [tilespmem:s22], [sflag:$0x4], $0x80, s21, s16, $0xb8;
	[tilespmem:$0x1FF00] =	vst v63  }
0x73: {  	_ =	swait.ge [sflag:s14], $0x4000  }
0x74: {  	s30 =	sadd.s32 s31, s12;
	[sflag:s14] =	ssyncset.done $0x0  }
0x75: {  	[sflag:s14] =	ssyncadd.s32 $0xFFFFC000  }
0x76: {  	[tilespmem:s3], [sflag:$0x4] =	stream.linear.gather [hbm4b:s30+s3], $0x80, $0x38;
	[tilespmem:$0x1FF00] =	vst v63  }
0x77: {  	_ =	swait.ge [sflag:s14], $0x80  }
0x78: {  	[sflag:s14] =	ssyncset.done $0x0  }
0x79: {  	s31 =	sadd.s32 s31, s11;
	[sflag:s14] =	ssyncadd.s32 $0xFFFFFF80  }
0x7a: {  	[tilespmem:s15], [sflag:$0x4] =	stream.linear.gather [hbm4b:s31+s3], $0x80, $0x38;
	[tilespmem:$0x1FF00] =	vst v63  }
0x7b: {  	_ =	swait.ge [sflag:s14], $0x80  }
0x7c: {  	[sflag:s14] =	ssyncset.done $0x0  }
0x7d: {  	[sflag:s14] =	ssyncadd.s32 $0xFFFFFF80  }
0x7e: {  	v1 =	vld [tilespmem:$0x70]  }
0x7f: {  	v2 =	vld [tilespmem:$0x30]  }
0x80: {  	v3 =	vld [tilespmem:$0x20]  }
0x81: {  	v4 =	vld [tilespmem:$0x10]  }
0x82: {  	v5 =	vld [tilespmem:$0x50]  }
0x83: {  	v6 =	vld [tilespmem:$0x60];
	v1 =	vadd.s32 v0, v1  }
0x84: {  	v7 =	vld [tilespmem:$0x0];
	v2 =	vadd.s32 v0, v2;
	[tilespmem:$0x70] =	vst v1  }
0x85: {  	v1 =	vadd.s32 v0, v3;
	[tilespmem:$0x30] =	vst v2;
	v2 =	vld [tilespmem:$0x40]  }
0x86: {  	v3 =	vadd.s32 v0, v4;
	[tilespmem:$0x20] =	vst v1  }
0x87: {  	[tilespmem:$0x10] =	vst v3;
	v1 =	vadd.s32 v0, v5  }
0x88: {  	[tilespmem:$0x50] =	vst v1;
	v1 =	vadd.s32 v0, v6  }
0x89: {  	v3 =	vadd.s32 v0, v7;
	[tilespmem:$0x60] =	vst v1  }
0x8a: {  	[tilespmem:$0x0] =	vst v3;
	v1 =	vadd.s32 v0, v2  }
0x8b: {  	[tilespmem:$0x40] =	vst v1  }
0x8c: {  	[tilespmem:s17], [sflag:$0x1] =	stream.indirect.gather [hbm4b:s4+s16], $0x80, s3, s16, $0xb8;
	[tilespmem:$0x1FF00] =	vst v63  }
0x8d: {  	s0 =	sadd.s32 $0x10, s30  }
0x8e: {  	[tilespmem:s16], [sflag:$0x4] =	stream.linear.gather [hbm4b:s0+s3], $0x80, $0x38;
	[tilespmem:$0x1FF00] =	vst v63  }
0x8f: {  	_ =	swait.ge [sflag:s14], $0x80  }
0x90: {  	[sflag:s14] =	ssyncset.done $0x0  }
0x91: {  	s0 =	sadd.s32 $0x10, s31;
	[sflag:s14] =	ssyncadd.s32 $0xFFFFFF80  }
0x92: {  	[tilespmem:s18], [sflag:$0x4] =	stream.linear.gather [hbm4b:s0+s3], $0x80, $0x38;
	[tilespmem:$0x1FF00] =	vst v63  }
0x93: {  	_ =	swait.ge [sflag:s14], $0x80  }
0x94: {  	[sflag:s14] =	ssyncset.done $0x0  }
0x95: {  	[sflag:s14] =	ssyncadd.s32 $0xFFFFFF80  }
0x96: {  	v1 =	vld [tilespmem:$0xD0]  }
0x97: {  	v2 =	vld [tilespmem:$0xF0]  }
0x98: {  	v3 =	vld [tilespmem:$0xE0]  }
0x99: {  	v4 =	vld [tilespmem:$0xC0]  }
0x9a: {  	v5 =	vld [tilespmem:$0xA0]  }
0x9b: {  	v6 =	vld [tilespmem:$0x80];
	v1 =	vadd.s32 v0, v1  }
0x9c: {  	v7 =	vld [tilespmem:$0xB0];
	[tilespmem:$0xD0] =	vst v1;
	v1 =	vadd.s32 v0, v2  }
0x9d: {  	v2 =	vld [tilespmem:$0x90];
	v3 =	vadd.s32 v0, v3;
	[tilespmem:$0xF0] =	vst v1  }
0x9e: {  	[tilespmem:$0xE0] =	vst v3  }
0x9f: {  	v3 =	vadd.s32 v0, v4;
	v1 =	vadd.s32 v0, v5  }
0xa0: {  	v4 =	vadd.s32 v0, v6;
	[tilespmem:$0xC0] =	vst v3  }
0xa1: {  	[tilespmem:$0x80] =	vst v4;
	v3 =	vadd.s32 v0, v7  }
0xa2: {  	v2 =	vadd.s32 v0, v2;
	[tilespmem:$0xA0] =	vst v1  }
0xa3: {  	[tilespmem:$0xB0] =	vst v3  }
0xa4: {  	[tilespmem:$0x90] =	vst v2  }
0xa5: {  	[tilespmem:s19], [sflag:$0x2] =	stream.indirect.gather [hbm4b:s4+s16], $0x80, s16, s16, $0xb8;
	[tilespmem:$0x1FF00] =	vst v63  }
0xa6: {  	s0 =	sadd.s32 $0x20, s30  }
0xa7: {  	[tilespmem:s20], [sflag:$0x4] =	stream.linear.gather [hbm4b:s0+s3], $0x80, $0x38;
	[tilespmem:$0x1FF00] =	vst v63  }
0xa8: {  	_ =	swait.ge [sflag:s14], $0x80  }
0xa9: {  	[sflag:s14] =	ssyncset.done $0x0  }
0xaa: {  	s0 =	sadd.s32 $0x20, s31;
	[sflag:s14] =	ssyncadd.s32 $0xFFFFFF80  }
0xab: {  	[tilespmem:s21], [sflag:$0x4] =	stream.linear.gather [hbm4b:s0+s3], $0x80, $0x38;
	[tilespmem:$0x1FF00] =	vst v63  }
0xac: {  	_ =	swait.ge [sflag:s14], $0x80  }
0xad: {  	[sflag:s14] =	ssyncset.done $0x0  }
0xae: {  	[sflag:s14] =	ssyncadd.s32 $0xFFFFFF80  }
0xaf: {  	v1 =	vld [tilespmem:$0x100]  }
0xb0: {  	v2 =	vld [tilespmem:$0x110]  }
0xb1: {  	v3 =	vld [tilespmem:$0x120]  }
0xb2: {  	v4 =	vld [tilespmem:$0x140]  }
0xb3: {  	v5 =	vld [tilespmem:$0x150]  }
0xb4: {  	v1 =	vadd.s32 v0, v1;
	v6 =	vld [tilespmem:$0x160]  }
0xb5: {  	[tilespmem:$0x100] =	vst v1;
	v1 =	vadd.s32 v0, v2;
	v2 =	vld [tilespmem:$0x170]  }
.Ltmp0:
0xb6: {  	[tilespmem:$0x110] =	vst v1;
	v3 =	vadd.s32 v0, v3;
	v1 =	vld [tilespmem:$0x130];
	(pc) =	sbr.rel @p0 .LBB2_2-.Ltmp0, $4  }
0xb7: {  	[tilespmem:$0x120] =	vst v3;
	v3 =	vadd.s32 v0, v4  }
0xb8: {  	[tilespmem:$0x140] =	vst v3;
	v3 =	vadd.s32 v0, v5  }
0xb9: {  	[tilespmem:$0x150] =	vst v3;
	v3 =	vadd.s32 v0, v6  }
0xba: {  	[tilespmem:$0x160] =	vst v3;
	v2 =	vadd.s32 v0, v2  }
0xbb: {  	v1 =	vadd.s32 v0, v1;
	[tilespmem:$0x170] =	vst v2  }
0xbc: {  	[tilespmem:$0x130] =	vst v1  }
0xbd: {  	[tilespmem:s22], [sflag:$0x3] =	stream.indirect.gather [hbm4b:s4+s16], $0x80, s20, s16, $0xb8;
	[tilespmem:$0x1FF00] =	vst v63  }
0xbe: {  	_ =	swait.ge [sflag:s23], $0x4000  }
0xbf: {  	[sflag:s23] =	ssyncset.done $0x0  }
0xc0: {  	[sflag:s23] =	ssyncadd.s32 $0xFFFFC000  }
0xc1: {  	[spmem:s1] =	stream.indirect.scatter.add.f32 [tilespmem:s17], [sflag:$0x4], $0x80, s15, s16, $0xb8;
	[tilespmem:$0x1FF00] =	vst v63  }
0xc2: {  	_ =	swait.ge [sflag:s14], $0x4000  }
0xc3: {  	[sflag:s14] =	ssyncset.done $0x0  }
0xc4: {  	[sflag:s14] =	ssyncadd.s32 $0xFFFFC000  }
0xc5: {  	_ =	swait.ge [sflag:s24], $0x4000  }
0xc6: {  	[sflag:s24] =	ssyncset.done $0x0  }
0xc7: {  	[sflag:s24] =	ssyncadd.s32 $0xFFFFC000  }
0xc8: {  	[spmem:s1] =	stream.indirect.scatter.add.f32 [tilespmem:s19], [sflag:$0x4], $0x80, s18, s16, $0xb8;
	[tilespmem:$0x1FF00] =	vst v63  }
0xc9: {  	_ =	swait.ge [sflag:s14], $0x4000  }
0xca: {  	[sflag:s14] =	ssyncset.done $0x0  }
0xcb: {  	[sflag:s14] =	ssyncadd.s32 $0xFFFFC000  }
0xcc: {  	_ =	swait.ge [sflag:s25], $0x4000  }
0xcd: {  	[sflag:s25] =	ssyncset.done $0x0  }
0xce: {  	[sflag:s25] =	ssyncadd.s32 $0xFFFFC000  }
0xcf: {  	[spmem:s1] =	stream.indirect.scatter.add.f32 [tilespmem:s22], [sflag:$0x4], $0x80, s21, s16, $0xb8;
	[tilespmem:$0x1FF00] =	vst v63  }
0xd0: {  	_ =	swait.ge [sflag:s14], $0x4000  }
0xd1: {  	[sflag:s14] =	ssyncset.done $0x0  }
0xd2: {  	[sflag:s14] =	ssyncadd.s32 $0xFFFFC000  }
0xd3: {  	[tilespmem:s3], [sflag:$0x4] =	stream.linear.gather [hbm4b:s7+s3], $0x20, $0x38;
	[tilespmem:$0x1FF00] =	vst v63  }
0xd4: {  	_ =	swait.ge [sflag:s14], $0x20  }
0xd5: {  	[sflag:s14] =	ssyncset.done $0x0  }
0xd6: {  	[sflag:s14] =	ssyncadd.s32 $0xFFFFFFE0  }
0xd7: {  	[tilespmem:s15], [sflag:$0x4] =	stream.linear.gather [hbm4b:s8+s3], $0x20, $0x38;
	[tilespmem:$0x1FF00] =	vst v63  }
0xd8: {  	_ =	swait.ge [sflag:s14], $0x20  }
0xd9: {  	[sflag:s14] =	ssyncset.done $0x0  }
0xda: {  	[sflag:s14] =	ssyncadd.s32 $0xFFFFFFE0  }
0xdb: {  	v1 =	vld [tilespmem:$0x0]  }
0xdc: {  	v2 =	vld [tilespmem:$0x10];
	_ =	sdelay $0x3  }
0xdd: {  	v1 =	vadd.s32 v0, v1  }
0xde: {  	[tilespmem:$0x0] =	vst v1;
	v1 =	vadd.s32 v0, v2  }
0xdf: {  	[tilespmem:$0x10] =	vst v1  }
0xe0: {  	[tilespmem:s17], [sflag:$0x1] =	stream.indirect.gather [hbm4b:s4+s26], $0x80, s3, s26, $0xb8;
	[tilespmem:$0x1FF00] =	vst v63  }
0xe1: {  	_ =	swait.ge [sflag:s23], $0x1000  }
0xe2: {  	[sflag:s23] =	ssyncset.done $0x0  }
0xe3: {  	[sflag:s23] =	ssyncadd.s32 $0xFFFFF000  }
0xe4: {  	[spmem:s1] =	stream.indirect.scatter.add.f32 [tilespmem:s17], [sflag:$0x4], $0x80, s15, s26, $0xb8;
	[tilespmem:$0x1FF00] =	vst v63  }
0xe5: {  	_ =	swait.ge [sflag:s14], $0x1000  }
0xe6: {  	s28 =	sadd.s32 $0x1, s28;
	[sflag:s14] =	ssyncset.done $0x0  }
0xe7: {  	p0 =	sne.s32 s28, s10;
	[sflag:s14] =	ssyncadd.s32 $0xFFFFF000  }
.Ltmp1:
0xe8: {  	[bflag:$0x0] =	sbarrier.arrive $0xFFFF;
	(pc) =	sbr.rel @p0 .LBB2_1-.Ltmp1, $4  }
0xe9: {  	[hbm:s9], [sflag:s6] =	dma.local [spmem:s13], $0x2780  }
0xea: {  	_ =	swait.ge [sflag:s14], $0x2780  }
0xeb: {  	[sflag:s14] =	ssyncset.done $0x0  }
0xec: {  	[sflag:s14] =	ssyncadd.s32 $0xFFFFD880  }
0xed: {  	_ =	sfence.sel $0x180000  }
0xee: {  	[bflag:$0x0] =	sbarrier.arrive $0xFFFF  }
0xef: {  	_ =	strace $0x90000047  }
0xf0: {  	[bflag:$0x2] =	sbarrier.arrive $0xFFFF  }
0xf1: {  	p0 =	sne.s32 s2, $0x0;
	s0 =	rddreg [dreg:$0x3]  }
0xf2: {  	s0 =	sadd.s32 @!p0 $0x100000, s0  }
0xf3: {  	[sflag:s0] =	ssyncadd.tile.s32 @!p0 $0x1;
	_ =	shalt  }
.Lfunc_end2:
_tile_overlayer_lowered:
.L_overlay_start_2:
0xf4: {  	(tag) =	ssettag $0x2  }
0xf5: {  	s0 =	rddreg [dreg:$0x0];
	s2 =	stileid.u32  }
0xf6: {  	s1 =	rddreg [dreg:$0x1];
	p0 =	sne.s32 s2, $0x0  }
0xf7: {  	s3 =	rddreg [dreg:$0x2];
	[bflag:$0x3] =	sbarrier.arrive $0xFFFF;
	s2 =	simm.s32 @!p0 $0x1C04  }
0xf8: {  	[timem:s3], [sflag:s2] =	dma.local @!p0 [hbm:s0], s1  }
0xf9: {  	s0 =	simm.s32 @!p0 $0x4  }
0xfa: {  	_ =	swait.ge @!p0 [sflag:s0], s1  }
0xfb: {  	s1 =	ssub.s32 @!p0 $0x0, s1;
	[sflag:s0] =	ssyncset.done @!p0 $0x0  }
0xfc: {  	[sflag:s0] =	ssyncadd.s32 @!p0 s1  }
0xfd: {  	[bflag:$0x3] =	sbarrier.arrive $0xFFFF  }
0xfe: {  	_ =	shalt  }

</sc_bundles>
